<compile_context>
chip_gen: v7x
topology: tpu7x:2x2x1
jax: 0.10.2.dev20260603
libtpu: 0.0.44.dev20260713+nightly
codegen_flags: <defaults>
</compile_context>

<pallas_src>
import jax
import jax.numpy as jnp
from jax import lax
from jax.experimental import pallas as pl
from jax.experimental.pallas import tpu as pltpu
from jax.experimental.pallas import tpu_sc as plsc

B = 1024
S = 200
DIM = 64
VOCAB = 1000000
NC = 2
NS = 16
NW = NC * NS
CH = 256
TASKS = (S * B) // CH
TPW = TASKS // NW
LANES = 16
GROUPS = CH // LANES
PAIRS = (TPW - 1) // 2


def _body(xt_hbm, e2_hbm, post_hbm, g_hbm,
          idx0, idx1, rows0, rows1, pos_v,
          isem0, isem1, gsem0, gsem1, osem0, osem1):
    idx_v = (idx0, idx1)
    rows_v = (rows0, rows1)
    isem = (isem0, isem1)
    gsem = (gsem0, gsem1)
    osem = (osem0, osem1)

    wid = lax.axis_index("s") * NC + lax.axis_index("c")
    t0 = wid * TPW

    pltpu.sync_copy(post_hbm.at[:, pl.ds(0, 256)], pos_v)

    def j0_of(g):
        return pl.multiple_of((t0 + g) << 8, CH)

    def start_idx(g, sl):
        pltpu.make_async_copy(
            xt_hbm.at[pl.ds(j0_of(g), CH)], idx_v[sl], isem[sl]).start()

    def wait_idx(sl):
        pltpu.make_async_copy(
            xt_hbm.at[pl.ds(0, CH)], idx_v[sl], isem[sl]).wait()

    def start_gather(sl):
        pltpu.make_async_copy(
            e2_hbm.at[idx_v[sl]], rows_v[sl], gsem[sl]).start()

    def wait_gather(sl):
        pltpu.make_async_copy(
            e2_hbm.at[idx_v[sl]], rows_v[sl], gsem[sl]).wait()

    def start_out(g, sl):
        pltpu.make_async_copy(
            rows_v[sl], g_hbm.at[pl.ds(j0_of(g), CH)], osem[sl]).start()

    def wait_out(sl):
        pltpu.make_async_copy(
            rows_v[sl], g_hbm.at[pl.ds(0, CH)], osem[sl]).wait()

    def add_pos(g, sl):
        s = (t0 + g) >> 2
        svec = jnp.full((LANES,), 0, dtype=jnp.int32) + s
        pcs = []
        for k in range(DIM // LANES):
            dvec = jnp.arange(LANES, dtype=jnp.int32) + (k * LANES)
            pcs.append(plsc.load_gather(pos_v, [dvec, svec]))
        rows = rows_v[sl]

        @plsc.parallel_loop(0, CH, step=1, unroll=4)
        def _(i):
            for k in range(DIM // LANES):
                c = pl.ds(k * LANES, LANES)
                rows[i, c] = rows[i, c] + pcs[k]

    start_idx(0, 0)
    start_idx(1, 1)

    def pair_body(p, carry):
        for b_ in range(2):
            g = 2 * p + b_

            @pl.when(p >= 1)
            def _():
                wait_out(b_)

            wait_idx(b_)
            start_gather(b_)
            wait_gather(b_)

            @pl.when(g + 2 < TPW)
            def _():
                start_idx(g + 2, b_)

            add_pos(g, b_)
            start_out(g, b_)
        return carry

    lax.fori_loop(0, PAIRS, pair_body, 0)

    g_tail = TPW - 1
    wait_out(0)
    wait_idx(0)
    start_gather(0)
    wait_gather(0)
    add_pos(g_tail, 0)
    start_out(g_tail, 0)

    wait_out(0)
    wait_out(1)


@jax.jit
def kernel(x, emb, pos_emb):
    e2 = jnp.pad(emb, ((0, 0), (0, DIM)))
    xt = x.T.reshape(S * B)
    post = pos_emb.T
    mesh = plsc.VectorSubcoreMesh(core_axis_name="c", subcore_axis_name="s")
    g_rows = pl.kernel(
        _body,
        out_type=jax.ShapeDtypeStruct((S * B, 2 * DIM), jnp.float32),
        mesh=mesh,
        compiler_params=pltpu.CompilerParams(needs_layout_passes=False),
        scratch_types=[
            pltpu.VMEM((CH,), jnp.int32),
            pltpu.VMEM((CH,), jnp.int32),
            pltpu.VMEM((CH, 2 * DIM), jnp.float32),
            pltpu.VMEM((CH, 2 * DIM), jnp.float32),
            pltpu.VMEM((DIM, 256), jnp.float32),
            pltpu.SemaphoreType.DMA,
            pltpu.SemaphoreType.DMA,
            pltpu.SemaphoreType.DMA,
            pltpu.SemaphoreType.DMA,
            pltpu.SemaphoreType.DMA,
            pltpu.SemaphoreType.DMA,
        ],
    )(xt, e2, post)
    return g_rows[:, :DIM].reshape(S, B, DIM).transpose(1, 0, 2)

# --- scband reference (transcript-rebuilt; emitter-appended) ---
"""Pipeline reference for scband-embedding-and-positional-vectorizer-59287728554053 (READ-ONLY COPY).

The authoritative reference and input builder live on the scoring server;
editing this copy changes nothing except your own understanding.
"""

import jax, jax.numpy as jnp
import numpy as np

VOCAB = 1000000
DIM = 64
MAX_SEQ = 512
B = 1024
S = 200

def setup_inputs(seed: int = 0) -> dict:
    key = jax.random.key(seed)
    k1, k2, k3 = jax.random.split(key, 3)
    x = jax.random.randint(k1, (B, S), 0, VOCAB, dtype=jnp.int64 if jax.config.jax_enable_x64 else jnp.int32)
    emb = jax.random.normal(k2, (VOCAB, DIM), dtype=jnp.float32) * 0.02
    pos_emb = jax.random.normal(k3, (MAX_SEQ, DIM), dtype=jnp.float32) * 0.02
    return {"x": x, "emb": emb, "pos_emb": pos_emb}

def reference(x, emb, pos_emb):
    b, s = x.shape
    positions = jnp.arange(s)
    pos = jnp.take(pos_emb, positions, axis=0)  # [s, d]
    tok = jnp.take(emb, x, axis=0)              # [b, s, d]
    return tok + pos[None, :, :]

if __name__ == "__main__":
    import jax
    _d = setup_inputs()
    print(jax.jit(kernel)(*tuple(_d.values())))

</pallas_src>

<mosaic_0001>
#map = affine_map<(d0, d1) -> (0)>
#map1 = affine_map<(d0, d1) -> (0, 0)>
module attributes {stable_mosaic.version = 14 : i64} {
  func.func @_body(%arg0: i32, %arg1: i32, %arg2: memref<204800xi32, #tpu.memory_space<hbm>>, %arg3: memref<1000000x128xf32, #tpu.memory_space<hbm>>, %arg4: memref<64x512xf32, #tpu.memory_space<hbm>>, %arg5: memref<204800x128xf32, #tpu.memory_space<hbm>>, %arg6: memref<256xi32, #tpu.memory_space<vmem>>, %arg7: memref<256xi32, #tpu.memory_space<vmem>>, %arg8: memref<256x128xf32, #tpu.memory_space<vmem>>, %arg9: memref<256x128xf32, #tpu.memory_space<vmem>>, %arg10: memref<64x256xf32, #tpu.memory_space<vmem>>, %arg11: memref<!tpu.dma_semaphore, #tpu.memory_space<semaphore_mem>>, %arg12: memref<!tpu.dma_semaphore, #tpu.memory_space<semaphore_mem>>, %arg13: memref<!tpu.dma_semaphore, #tpu.memory_space<semaphore_mem>>, %arg14: memref<!tpu.dma_semaphore, #tpu.memory_space<semaphore_mem>>, %arg15: memref<!tpu.dma_semaphore, #tpu.memory_space<semaphore_mem>>, %arg16: memref<!tpu.dma_semaphore, #tpu.memory_space<semaphore_mem>>) attributes {dimension_semantics = [#tpu.dimension_semantics<core_parallel>, #tpu.dimension_semantics<subcore_parallel>], iteration_bounds = array<i64: 2, 16>, scalar_prefetch = 0 : i64, scratch_operands = 11 : i64, tpu.core_type = #tpu.core_type<sc_vector_subcore>, window_params = [{transform_indices = #map}, {transform_indices = #map1}, {transform_indices = #map1}, {transform_indices = #map1}]} {
    %mul3A = arith.constant 2 : i32
    %mul3A_0 = arith.muli %arg1, %mul3A : i32
    %add3A = arith.addi %mul3A_0, %arg0 : i32
    %mul3A_1 = arith.constant 25 : i32
    %mul3A_2 = arith.muli %add3A, %mul3A_1 : i32
    "tpu.region"() ({
      %run_scoped3A = tpu.sem_alloc : memref<!tpu.dma_semaphore, #tpu.memory_space<semaphore_mem>>
      %dma_start3A_81 = arith.constant 0 : i32
      %dma_start3A_82 = arith.constant 0 : i32
      %dma_start3A_83 = tpu.memref_slice %arg4[%dma_start3A_81, %dma_start3A_82] : memref<64x512xf32, #tpu.memory_space<hbm>> -> memref<64x256xf32, #tpu.memory_space<hbm>>
      %dma_start3A_84 = arith.constant 0 : i32
      %dma_start3A_85 = arith.constant 0 : i32
      %dma_start3A_86 = tpu.memref_slice %arg4[%dma_start3A_84, %dma_start3A_85] : memref<64x512xf32, #tpu.memory_space<hbm>> -> memref<64x256xf32, #tpu.memory_space<hbm>>
      tpu.enqueue_dma source(%dma_start3A_86 : memref<64x256xf32, #tpu.memory_space<hbm>>) target(%arg10 : memref<64x256xf32, #tpu.memory_space<vmem>>) target_semaphore(%run_scoped3A : memref<!tpu.dma_semaphore, #tpu.memory_space<semaphore_mem>>)
      %dma_wait3A_87 = arith.constant 0 : i32
      %dma_wait3A_88 = arith.constant 0 : i32
      %dma_wait3A_89 = tpu.memref_slice %arg4[%dma_wait3A_87, %dma_wait3A_88] : memref<64x512xf32, #tpu.memory_space<hbm>> -> memref<64x256xf32, #tpu.memory_space<hbm>>
      %dma_wait3A_90 = arith.constant 0 : i32
      %dma_wait3A_91 = arith.constant 0 : i32
      %dma_wait3A_92 = tpu.memref_slice %arg4[%dma_wait3A_90, %dma_wait3A_91] : memref<64x512xf32, #tpu.memory_space<hbm>> -> memref<64x256xf32, #tpu.memory_space<hbm>>
      tpu.wait_dma2 semaphore(%run_scoped3A : memref<!tpu.dma_semaphore, #tpu.memory_space<semaphore_mem>>) src(%dma_wait3A_92 : memref<64x256xf32, #tpu.memory_space<hbm>>) dst(%arg10 : memref<64x256xf32, #tpu.memory_space<vmem>>)
      tpu.yield
    }) : () -> ()
    %add3A_3 = arith.constant 0 : i32
    %add3A_4 = arith.addi %mul3A_2, %add3A_3 : i32
    %shift_left3A = arith.constant 8 : i32
    %shift_left3A_5 = arith.shli %add3A_4, %shift_left3A : i32
    %multiple_of3A = tpu.assume_multiple %shift_left3A_5, 256 : i32
    %dma_start3A = tpu.memref_slice %arg2[%multiple_of3A] : memref<204800xi32, #tpu.memory_space<hbm>> -> memref<256xi32, #tpu.memory_space<hbm>>
    %dma_start3A_6 = tpu.memref_slice %arg2[%multiple_of3A] : memref<204800xi32, #tpu.memory_space<hbm>> -> memref<256xi32, #tpu.memory_space<hbm>>
    tpu.enqueue_dma source(%dma_start3A_6 : memref<256xi32, #tpu.memory_space<hbm>>) target(%arg6 : memref<256xi32, #tpu.memory_space<vmem>>) target_semaphore(%arg11 : memref<!tpu.dma_semaphore, #tpu.memory_space<semaphore_mem>>)
    %add3A_7 = arith.constant 1 : i32
    %add3A_8 = arith.addi %mul3A_2, %add3A_7 : i32
    %shift_left3A_9 = arith.constant 8 : i32
    %shift_left3A_10 = arith.shli %add3A_8, %shift_left3A_9 : i32
    %multiple_of3A_11 = tpu.assume_multiple %shift_left3A_10, 256 : i32
    %dma_start3A_12 = tpu.memref_slice %arg2[%multiple_of3A_11] : memref<204800xi32, #tpu.memory_space<hbm>> -> memref<256xi32, #tpu.memory_space<hbm>>
    %dma_start3A_13 = tpu.memref_slice %arg2[%multiple_of3A_11] : memref<204800xi32, #tpu.memory_space<hbm>> -> memref<256xi32, #tpu.memory_space<hbm>>
    tpu.enqueue_dma source(%dma_start3A_13 : memref<256xi32, #tpu.memory_space<hbm>>) target(%arg7 : memref<256xi32, #tpu.memory_space<vmem>>) target_semaphore(%arg12 : memref<!tpu.dma_semaphore, #tpu.memory_space<semaphore_mem>>)
    %scan3A = arith.constant 0 : i32
    %scan3A_14 = arith.constant 0 : i32
    %scan3A_15 = arith.constant 12 : i32
    %scan3A_16 = arith.addi %scan3A_14, %scan3A_15 : i32
    %scan3A_17 = arith.constant 1 : i32
    scf.for %scan3A_81 = %scan3A_14 to %scan3A_16 step %scan3A_17  : i32 {
      %mul3A_82 = arith.constant 2 : i32
      %mul3A_83 = arith.muli %mul3A_82, %scan3A_81 : i32
      %add3A_84 = arith.constant 0 : i32
      %add3A_85 = arith.addi %mul3A_83, %add3A_84 : i32
      %ge3A = arith.constant 1 : i32
      %ge3A_86 = arith.cmpi sge, %scan3A_81, %ge3A : i32
      %convert_element_type3A = arith.extui %ge3A_86 : i1 to i32
      %cond3A = arith.constant 0 : i32
      %cond3A_87 = arith.cmpi ne, %convert_element_type3A, %cond3A : i32
      scf.if %cond3A_87 {
        %dma_wait3A_206 = arith.constant 0 : i32
        %dma_wait3A_207 = arith.constant 0 : i32
        %dma_wait3A_208 = tpu.memref_slice %arg5[%dma_wait3A_206, %dma_wait3A_207] : memref<204800x128xf32, #tpu.memory_space<hbm>> -> memref<256x128xf32, #tpu.memory_space<hbm>>
        %dma_wait3A_209 = arith.constant 0 : i32
        %dma_wait3A_210 = arith.constant 0 : i32
        %dma_wait3A_211 = tpu.memref_slice %arg5[%dma_wait3A_209, %dma_wait3A_210] : memref<204800x128xf32, #tpu.memory_space<hbm>> -> memref<256x128xf32, #tpu.memory_space<hbm>>
        tpu.wait_dma2 semaphore(%arg15 : memref<!tpu.dma_semaphore, #tpu.memory_space<semaphore_mem>>) src(%arg8 : memref<256x128xf32, #tpu.memory_space<vmem>>) dst(%dma_wait3A_211 : memref<256x128xf32, #tpu.memory_space<hbm>>)
      } else {
      }
      %dma_wait3A_88 = arith.constant 0 : i32
      %dma_wait3A_89 = tpu.memref_slice %arg2[%dma_wait3A_88] : memref<204800xi32, #tpu.memory_space<hbm>> -> memref<256xi32, #tpu.memory_space<hbm>>
      %dma_wait3A_90 = arith.constant 0 : i32
      %dma_wait3A_91 = tpu.memref_slice %arg2[%dma_wait3A_90] : memref<204800xi32, #tpu.memory_space<hbm>> -> memref<256xi32, #tpu.memory_space<hbm>>
      tpu.wait_dma2 semaphore(%arg11 : memref<!tpu.dma_semaphore, #tpu.memory_space<semaphore_mem>>) src(%dma_wait3A_91 : memref<256xi32, #tpu.memory_space<hbm>>) dst(%arg6 : memref<256xi32, #tpu.memory_space<vmem>>)
      %dma_start3A_92 = arith.constant 0 : i32
      %dma_start3A_93 = arith.constant 0 : i32
      %dma_start3A_94 = tpu.memref_slice %arg3[%dma_start3A_92, %dma_start3A_93] : memref<1000000x128xf32, #tpu.memory_space<hbm>> -> memref<1000000x128xf32, #tpu.memory_space<hbm>>
      tpu.enqueue_indirect_dma source(%dma_start3A_94 : memref<1000000x128xf32, #tpu.memory_space<hbm>>) target(%arg8 : memref<256x128xf32, #tpu.memory_space<vmem>>) offsets(%arg6 : memref<256xi32, #tpu.memory_space<vmem>>) semaphore(%arg13 : memref<!tpu.dma_semaphore, #tpu.memory_space<semaphore_mem>>)
      %dma_wait3A_95 = arith.constant 0 : i32
      %dma_wait3A_96 = arith.constant 0 : i32
      %dma_wait3A_97 = tpu.memref_slice %arg3[%dma_wait3A_95, %dma_wait3A_96] : memref<1000000x128xf32, #tpu.memory_space<hbm>> -> memref<1000000x128xf32, #tpu.memory_space<hbm>>
      tpu.wait_indirect_dma semaphore(%arg13 : memref<!tpu.dma_semaphore, #tpu.memory_space<semaphore_mem>>) src(%dma_wait3A_97 : memref<1000000x128xf32, #tpu.memory_space<hbm>>) dst(%arg8 : memref<256x128xf32, #tpu.memory_space<vmem>>)
      %add3A_98 = arith.constant 2 : i32
      %add3A_99 = arith.addi %add3A_85, %add3A_98 : i32
      %lt3A = arith.constant 25 : i32
      %lt3A_100 = arith.cmpi slt, %add3A_99, %lt3A : i32
      %convert_element_type3A_101 = arith.extui %lt3A_100 : i1 to i32
      %cond3A_102 = arith.constant 0 : i32
      %cond3A_103 = arith.cmpi ne, %convert_element_type3A_101, %cond3A_102 : i32
      scf.if %cond3A_103 {
        %add3A_206 = arith.constant 2 : i32
        %add3A_207 = arith.addi %add3A_85, %add3A_206 : i32
        %add3A_208 = arith.addi %mul3A_2, %add3A_207 : i32
        %shift_left3A_209 = arith.constant 8 : i32
        %shift_left3A_210 = arith.shli %add3A_208, %shift_left3A_209 : i32
        %multiple_of3A_211 = tpu.assume_multiple %shift_left3A_210, 256 : i32
        %dma_start3A_212 = tpu.memref_slice %arg2[%multiple_of3A_211] : memref<204800xi32, #tpu.memory_space<hbm>> -> memref<256xi32, #tpu.memory_space<hbm>>
        %dma_start3A_213 = tpu.memref_slice %arg2[%multiple_of3A_211] : memref<204800xi32, #tpu.memory_space<hbm>> -> memref<256xi32, #tpu.memory_space<hbm>>
        tpu.enqueue_dma source(%dma_start3A_213 : memref<256xi32, #tpu.memory_space<hbm>>) target(%arg6 : memref<256xi32, #tpu.memory_space<vmem>>) target_semaphore(%arg11 : memref<!tpu.dma_semaphore, #tpu.memory_space<semaphore_mem>>)
      } else {
      }
      %add3A_104 = arith.addi %mul3A_2, %add3A_85 : i32
      %shift_right_arithmetic3A_105 = arith.constant 2 : i32
      %shift_right_arithmetic3A_106 = arith.shrsi %add3A_104, %shift_right_arithmetic3A_105 : i32
      %broadcast_in_dim3A_107 = arith.constant 0 : i32
      %broadcast_in_dim3A_108 = vector.broadcast %broadcast_in_dim3A_107 : i32 to vector<16xi32>
      %add3A_109 = vector.broadcast %shift_right_arithmetic3A_106 : i32 to vector<16xi32>
      %add3A_110 = arith.addi %broadcast_in_dim3A_108, %add3A_109 : vector<16xi32>
      %iota3A_111 = tpu.iota {dimensions = array<i32: 0>} : vector<16xi32>
      %add3A_112 = arith.constant 0 : i32
      %add3A_113 = vector.broadcast %add3A_112 : i32 to vector<16xi32>
      %add3A_114 = arith.addi %iota3A_111, %add3A_113 : vector<16xi32>
      %gather3A_115 = tpu.vector_load_idx %arg10[%add3A_114, %add3A_110] : memref<64x256xf32, #tpu.memory_space<vmem>>[vector<16xi32>, vector<16xi32>], vector<16xf32>,
      %iota3A_116 = tpu.iota {dimensions = array<i32: 0>} : vector<16xi32>
      %add3A_117 = arith.constant 16 : i32
      %add3A_118 = vector.broadcast %add3A_117 : i32 to vector<16xi32>
      %add3A_119 = arith.addi %iota3A_116, %add3A_118 : vector<16xi32>
      %gather3A_120 = tpu.vector_load_idx %arg10[%add3A_119, %add3A_110] : memref<64x256xf32, #tpu.memory_space<vmem>>[vector<16xi32>, vector<16xi32>], vector<16xf32>,
      %iota3A_121 = tpu.iota {dimensions = array<i32: 0>} : vector<16xi32>
      %add3A_122 = arith.constant 32 : i32
      %add3A_123 = vector.broadcast %add3A_122 : i32 to vector<16xi32>
      %add3A_124 = arith.addi %iota3A_121, %add3A_123 : vector<16xi32>
      %gather3A_125 = tpu.vector_load_idx %arg10[%add3A_124, %add3A_110] : memref<64x256xf32, #tpu.memory_space<vmem>>[vector<16xi32>, vector<16xi32>], vector<16xf32>,
      %iota3A_126 = tpu.iota {dimensions = array<i32: 0>} : vector<16xi32>
      %add3A_127 = arith.constant 48 : i32
      %add3A_128 = vector.broadcast %add3A_127 : i32 to vector<16xi32>
      %add3A_129 = arith.addi %iota3A_126, %add3A_128 : vector<16xi32>
      %gather3A_130 = tpu.vector_load_idx %arg10[%add3A_129, %add3A_110] : memref<64x256xf32, #tpu.memory_space<vmem>>[vector<16xi32>, vector<16xi32>], vector<16xf32>,
      %parallel_loop3A_131 = arith.constant 0 : i32
      %parallel_loop3A_132 = arith.constant 256 : i32
      %parallel_loop3A_133 = arith.constant 1 : i32
      scf.for %parallel_loop3A_206 = %parallel_loop3A_131 to %parallel_loop3A_132 step %parallel_loop3A_133  : i32 {
        %parallel_loop3A_207 = arith.index_cast %parallel_loop3A_206 : i32 to index
        %parallel_loop3A_208 = arith.constant 0 : index
        %parallel_loop3A_209 = tpu.vector_load %arg8[%parallel_loop3A_207, %parallel_loop3A_208] {strides = array<i32>} : memref<256x128xf32, #tpu.memory_space<vmem>>, vector<16xf32>,
        %parallel_loop3A_210 = arith.addf %parallel_loop3A_209, %gather3A_115 : vector<16xf32>
        %parallel_loop3A_211 = arith.index_cast %parallel_loop3A_206 : i32 to index
        %parallel_loop3A_212 = arith.constant 0 : index
        %parallel_loop3A_213 = tpu.vector_load %arg8[%parallel_loop3A_211, %parallel_loop3A_212] {strides = array<i32>} : memref<256x128xf32, #tpu.memory_space<vmem>>, vector<16xf32>,
        tpu.vector_store %arg8[%parallel_loop3A_211, %parallel_loop3A_212], %parallel_loop3A_210 {strides = array<i32>} : memref<256x128xf32, #tpu.memory_space<vmem>>, vector<16xf32>,
        %parallel_loop3A_214 = arith.index_cast %parallel_loop3A_206 : i32 to index
        %parallel_loop3A_215 = arith.constant 16 : index
        %parallel_loop3A_216 = tpu.vector_load %arg8[%parallel_loop3A_214, %parallel_loop3A_215] {strides = array<i32>} : memref<256x128xf32, #tpu.memory_space<vmem>>, vector<16xf32>,
        %parallel_loop3A_217 = arith.addf %parallel_loop3A_216, %gather3A_120 : vector<16xf32>
        %parallel_loop3A_218 = arith.index_cast %parallel_loop3A_206 : i32 to index
        %parallel_loop3A_219 = arith.constant 16 : index
        %parallel_loop3A_220 = tpu.vector_load %arg8[%parallel_loop3A_218, %parallel_loop3A_219] {strides = array<i32>} : memref<256x128xf32, #tpu.memory_space<vmem>>, vector<16xf32>,
        tpu.vector_store %arg8[%parallel_loop3A_218, %parallel_loop3A_219], %parallel_loop3A_217 {strides = array<i32>} : memref<256x128xf32, #tpu.memory_space<vmem>>, vector<16xf32>,
        %parallel_loop3A_221 = arith.index_cast %parallel_loop3A_206 : i32 to index
        %parallel_loop3A_222 = arith.constant 32 : index
        %parallel_loop3A_223 = tpu.vector_load %arg8[%parallel_loop3A_221, %parallel_loop3A_222] {strides = array<i32>} : memref<256x128xf32, #tpu.memory_space<vmem>>, vector<16xf32>,
        %parallel_loop3A_224 = arith.addf %parallel_loop3A_223, %gather3A_125 : vector<16xf32>
        %parallel_loop3A_225 = arith.index_cast %parallel_loop3A_206 : i32 to index
        %parallel_loop3A_226 = arith.constant 32 : index
        %parallel_loop3A_227 = tpu.vector_load %arg8[%parallel_loop3A_225, %parallel_loop3A_226] {strides = array<i32>} : memref<256x128xf32, #tpu.memory_space<vmem>>, vector<16xf32>,
        tpu.vector_store %arg8[%parallel_loop3A_225, %parallel_loop3A_226], %parallel_loop3A_224 {strides = array<i32>} : memref<256x128xf32, #tpu.memory_space<vmem>>, vector<16xf32>,
        %parallel_loop3A_228 = arith.index_cast %parallel_loop3A_206 : i32 to index
        %parallel_loop3A_229 = arith.constant 48 : index
        %parallel_loop3A_230 = tpu.vector_load %arg8[%parallel_loop3A_228, %parallel_loop3A_229] {strides = array<i32>} : memref<256x128xf32, #tpu.memory_space<vmem>>, vector<16xf32>,
        %parallel_loop3A_231 = arith.addf %parallel_loop3A_230, %gather3A_130 : vector<16xf32>
        %parallel_loop3A_232 = arith.index_cast %parallel_loop3A_206 : i32 to index
        %parallel_loop3A_233 = arith.constant 48 : index
        %parallel_loop3A_234 = tpu.vector_load %arg8[%parallel_loop3A_232, %parallel_loop3A_233] {strides = array<i32>} : memref<256x128xf32, #tpu.memory_space<vmem>>, vector<16xf32>,
        tpu.vector_store %arg8[%parallel_loop3A_232, %parallel_loop3A_233], %parallel_loop3A_231 {strides = array<i32>} : memref<256x128xf32, #tpu.memory_space<vmem>>, vector<16xf32>,
      } {sc.loop_unroll_factor = 4 : i64, sc.parallel_access}
      %add3A_134 = arith.addi %mul3A_2, %add3A_85 : i32
      %shift_left3A_135 = arith.constant 8 : i32
      %shift_left3A_136 = arith.shli %add3A_134, %shift_left3A_135 : i32
      %multiple_of3A_137 = tpu.assume_multiple %shift_left3A_136, 256 : i32
      %dma_start3A_138 = arith.constant 0 : i32
      %dma_start3A_139 = tpu.memref_slice %arg5[%multiple_of3A_137, %dma_start3A_138] : memref<204800x128xf32, #tpu.memory_space<hbm>> -> memref<256x128xf32, #tpu.memory_space<hbm>>
      %dma_start3A_140 = arith.constant 0 : i32
      %dma_start3A_141 = tpu.memref_slice %arg5[%multiple_of3A_137, %dma_start3A_140] : memref<204800x128xf32, #tpu.memory_space<hbm>> -> memref<256x128xf32, #tpu.memory_space<hbm>>
      tpu.enqueue_dma source(%arg8 : memref<256x128xf32, #tpu.memory_space<vmem>>) target(%dma_start3A_141 : memref<256x128xf32, #tpu.memory_space<hbm>>) target_semaphore(%arg15 : memref<!tpu.dma_semaphore, #tpu.memory_space<semaphore_mem>>)
      %mul3A_142 = arith.constant 2 : i32
      %mul3A_143 = arith.muli %mul3A_142, %scan3A_81 : i32
      %add3A_144 = arith.constant 1 : i32
      %add3A_145 = arith.addi %mul3A_143, %add3A_144 : i32
      %ge3A_146 = arith.constant 1 : i32
      %ge3A_147 = arith.cmpi sge, %scan3A_81, %ge3A_146 : i32
      %convert_element_type3A_148 = arith.extui %ge3A_147 : i1 to i32
      %cond3A_149 = arith.constant 0 : i32
      %cond3A_150 = arith.cmpi ne, %convert_element_type3A_148, %cond3A_149 : i32
      scf.if %cond3A_150 {
        %dma_wait3A_206 = arith.constant 0 : i32
        %dma_wait3A_207 = arith.constant 0 : i32
        %dma_wait3A_208 = tpu.memref_slice %arg5[%dma_wait3A_206, %dma_wait3A_207] : memref<204800x128xf32, #tpu.memory_space<hbm>> -> memref<256x128xf32, #tpu.memory_space<hbm>>
        %dma_wait3A_209 = arith.constant 0 : i32
        %dma_wait3A_210 = arith.constant 0 : i32
        %dma_wait3A_211 = tpu.memref_slice %arg5[%dma_wait3A_209, %dma_wait3A_210] : memref<204800x128xf32, #tpu.memory_space<hbm>> -> memref<256x128xf32, #tpu.memory_space<hbm>>
        tpu.wait_dma2 semaphore(%arg16 : memref<!tpu.dma_semaphore, #tpu.memory_space<semaphore_mem>>) src(%arg9 : memref<256x128xf32, #tpu.memory_space<vmem>>) dst(%dma_wait3A_211 : memref<256x128xf32, #tpu.memory_space<hbm>>)
      } else {
      }
      %dma_wait3A_151 = arith.constant 0 : i32
      %dma_wait3A_152 = tpu.memref_slice %arg2[%dma_wait3A_151] : memref<204800xi32, #tpu.memory_space<hbm>> -> memref<256xi32, #tpu.memory_space<hbm>>
      %dma_wait3A_153 = arith.constant 0 : i32
      %dma_wait3A_154 = tpu.memref_slice %arg2[%dma_wait3A_153] : memref<204800xi32, #tpu.memory_space<hbm>> -> memref<256xi32, #tpu.memory_space<hbm>>
      tpu.wait_dma2 semaphore(%arg12 : memref<!tpu.dma_semaphore, #tpu.memory_space<semaphore_mem>>) src(%dma_wait3A_154 : memref<256xi32, #tpu.memory_space<hbm>>) dst(%arg7 : memref<256xi32, #tpu.memory_space<vmem>>)
      %dma_start3A_155 = arith.constant 0 : i32
      %dma_start3A_156 = arith.constant 0 : i32
      %dma_start3A_157 = tpu.memref_slice %arg3[%dma_start3A_155, %dma_start3A_156] : memref<1000000x128xf32, #tpu.memory_space<hbm>> -> memref<1000000x128xf32, #tpu.memory_space<hbm>>
      tpu.enqueue_indirect_dma source(%dma_start3A_157 : memref<1000000x128xf32, #tpu.memory_space<hbm>>) target(%arg9 : memref<256x128xf32, #tpu.memory_space<vmem>>) offsets(%arg7 : memref<256xi32, #tpu.memory_space<vmem>>) semaphore(%arg14 : memref<!tpu.dma_semaphore, #tpu.memory_space<semaphore_mem>>)
      %dma_wait3A_158 = arith.constant 0 : i32
      %dma_wait3A_159 = arith.constant 0 : i32
      %dma_wait3A_160 = tpu.memref_slice %arg3[%dma_wait3A_158, %dma_wait3A_159] : memref<1000000x128xf32, #tpu.memory_space<hbm>> -> memref<1000000x128xf32, #tpu.memory_space<hbm>>
      tpu.wait_indirect_dma semaphore(%arg14 : memref<!tpu.dma_semaphore, #tpu.memory_space<semaphore_mem>>) src(%dma_wait3A_160 : memref<1000000x128xf32, #tpu.memory_space<hbm>>) dst(%arg9 : memref<256x128xf32, #tpu.memory_space<vmem>>)
      %add3A_161 = arith.constant 2 : i32
      %add3A_162 = arith.addi %add3A_145, %add3A_161 : i32
      %lt3A_163 = arith.constant 25 : i32
      %lt3A_164 = arith.cmpi slt, %add3A_162, %lt3A_163 : i32
      %convert_element_type3A_165 = arith.extui %lt3A_164 : i1 to i32
      %cond3A_166 = arith.constant 0 : i32
      %cond3A_167 = arith.cmpi ne, %convert_element_type3A_165, %cond3A_166 : i32
      scf.if %cond3A_167 {
        %add3A_206 = arith.constant 2 : i32
        %add3A_207 = arith.addi %add3A_145, %add3A_206 : i32
        %add3A_208 = arith.addi %mul3A_2, %add3A_207 : i32
        %shift_left3A_209 = arith.constant 8 : i32
        %shift_left3A_210 = arith.shli %add3A_208, %shift_left3A_209 : i32
        %multiple_of3A_211 = tpu.assume_multiple %shift_left3A_210, 256 : i32
        %dma_start3A_212 = tpu.memref_slice %arg2[%multiple_of3A_211] : memref<204800xi32, #tpu.memory_space<hbm>> -> memref<256xi32, #tpu.memory_space<hbm>>
        %dma_start3A_213 = tpu.memref_slice %arg2[%multiple_of3A_211] : memref<204800xi32, #tpu.memory_space<hbm>> -> memref<256xi32, #tpu.memory_space<hbm>>
        tpu.enqueue_dma source(%dma_start3A_213 : memref<256xi32, #tpu.memory_space<hbm>>) target(%arg7 : memref<256xi32, #tpu.memory_space<vmem>>) target_semaphore(%arg12 : memref<!tpu.dma_semaphore, #tpu.memory_space<semaphore_mem>>)
      } else {
      }
      %add3A_168 = arith.addi %mul3A_2, %add3A_145 : i32
      %shift_right_arithmetic3A_169 = arith.constant 2 : i32
      %shift_right_arithmetic3A_170 = arith.shrsi %add3A_168, %shift_right_arithmetic3A_169 : i32
      %broadcast_in_dim3A_171 = arith.constant 0 : i32
      %broadcast_in_dim3A_172 = vector.broadcast %broadcast_in_dim3A_171 : i32 to vector<16xi32>
      %add3A_173 = vector.broadcast %shift_right_arithmetic3A_170 : i32 to vector<16xi32>
      %add3A_174 = arith.addi %broadcast_in_dim3A_172, %add3A_173 : vector<16xi32>
      %iota3A_175 = tpu.iota {dimensions = array<i32: 0>} : vector<16xi32>
      %add3A_176 = arith.constant 0 : i32
      %add3A_177 = vector.broadcast %add3A_176 : i32 to vector<16xi32>
      %add3A_178 = arith.addi %iota3A_175, %add3A_177 : vector<16xi32>
      %gather3A_179 = tpu.vector_load_idx %arg10[%add3A_178, %add3A_174] : memref<64x256xf32, #tpu.memory_space<vmem>>[vector<16xi32>, vector<16xi32>], vector<16xf32>,
      %iota3A_180 = tpu.iota {dimensions = array<i32: 0>} : vector<16xi32>
      %add3A_181 = arith.constant 16 : i32
      %add3A_182 = vector.broadcast %add3A_181 : i32 to vector<16xi32>
      %add3A_183 = arith.addi %iota3A_180, %add3A_182 : vector<16xi32>
      %gather3A_184 = tpu.vector_load_idx %arg10[%add3A_183, %add3A_174] : memref<64x256xf32, #tpu.memory_space<vmem>>[vector<16xi32>, vector<16xi32>], vector<16xf32>,
      %iota3A_185 = tpu.iota {dimensions = array<i32: 0>} : vector<16xi32>
      %add3A_186 = arith.constant 32 : i32
      %add3A_187 = vector.broadcast %add3A_186 : i32 to vector<16xi32>
      %add3A_188 = arith.addi %iota3A_185, %add3A_187 : vector<16xi32>
      %gather3A_189 = tpu.vector_load_idx %arg10[%add3A_188, %add3A_174] : memref<64x256xf32, #tpu.memory_space<vmem>>[vector<16xi32>, vector<16xi32>], vector<16xf32>,
      %iota3A_190 = tpu.iota {dimensions = array<i32: 0>} : vector<16xi32>
      %add3A_191 = arith.constant 48 : i32
      %add3A_192 = vector.broadcast %add3A_191 : i32 to vector<16xi32>
      %add3A_193 = arith.addi %iota3A_190, %add3A_192 : vector<16xi32>
      %gather3A_194 = tpu.vector_load_idx %arg10[%add3A_193, %add3A_174] : memref<64x256xf32, #tpu.memory_space<vmem>>[vector<16xi32>, vector<16xi32>], vector<16xf32>,
      %parallel_loop3A_195 = arith.constant 0 : i32
      %parallel_loop3A_196 = arith.constant 256 : i32
      %parallel_loop3A_197 = arith.constant 1 : i32
      scf.for %parallel_loop3A_206 = %parallel_loop3A_195 to %parallel_loop3A_196 step %parallel_loop3A_197  : i32 {
        %parallel_loop3A_207 = arith.index_cast %parallel_loop3A_206 : i32 to index
        %parallel_loop3A_208 = arith.constant 0 : index
        %parallel_loop3A_209 = tpu.vector_load %arg9[%parallel_loop3A_207, %parallel_loop3A_208] {strides = array<i32>} : memref<256x128xf32, #tpu.memory_space<vmem>>, vector<16xf32>,
        %parallel_loop3A_210 = arith.addf %parallel_loop3A_209, %gather3A_179 : vector<16xf32>
        %parallel_loop3A_211 = arith.index_cast %parallel_loop3A_206 : i32 to index
        %parallel_loop3A_212 = arith.constant 0 : index
        %parallel_loop3A_213 = tpu.vector_load %arg9[%parallel_loop3A_211, %parallel_loop3A_212] {strides = array<i32>} : memref<256x128xf32, #tpu.memory_space<vmem>>, vector<16xf32>,
        tpu.vector_store %arg9[%parallel_loop3A_211, %parallel_loop3A_212], %parallel_loop3A_210 {strides = array<i32>} : memref<256x128xf32, #tpu.memory_space<vmem>>, vector<16xf32>,
        %parallel_loop3A_214 = arith.index_cast %parallel_loop3A_206 : i32 to index
        %parallel_loop3A_215 = arith.constant 16 : index
        %parallel_loop3A_216 = tpu.vector_load %arg9[%parallel_loop3A_214, %parallel_loop3A_215] {strides = array<i32>} : memref<256x128xf32, #tpu.memory_space<vmem>>, vector<16xf32>,
        %parallel_loop3A_217 = arith.addf %parallel_loop3A_216, %gather3A_184 : vector<16xf32>
        %parallel_loop3A_218 = arith.index_cast %parallel_loop3A_206 : i32 to index
        %parallel_loop3A_219 = arith.constant 16 : index
        %parallel_loop3A_220 = tpu.vector_load %arg9[%parallel_loop3A_218, %parallel_loop3A_219] {strides = array<i32>} : memref<256x128xf32, #tpu.memory_space<vmem>>, vector<16xf32>,
        tpu.vector_store %arg9[%parallel_loop3A_218, %parallel_loop3A_219], %parallel_loop3A_217 {strides = array<i32>} : memref<256x128xf32, #tpu.memory_space<vmem>>, vector<16xf32>,
        %parallel_loop3A_221 = arith.index_cast %parallel_loop3A_206 : i32 to index
        %parallel_loop3A_222 = arith.constant 32 : index
        %parallel_loop3A_223 = tpu.vector_load %arg9[%parallel_loop3A_221, %parallel_loop3A_222] {strides = array<i32>} : memref<256x128xf32, #tpu.memory_space<vmem>>, vector<16xf32>,
        %parallel_loop3A_224 = arith.addf %parallel_loop3A_223, %gather3A_189 : vector<16xf32>
        %parallel_loop3A_225 = arith.index_cast %parallel_loop3A_206 : i32 to index
        %parallel_loop3A_226 = arith.constant 32 : index
        %parallel_loop3A_227 = tpu.vector_load %arg9[%parallel_loop3A_225, %parallel_loop3A_226] {strides = array<i32>} : memref<256x128xf32, #tpu.memory_space<vmem>>, vector<16xf32>,
        tpu.vector_store %arg9[%parallel_loop3A_225, %parallel_loop3A_226], %parallel_loop3A_224 {strides = array<i32>} : memref<256x128xf32, #tpu.memory_space<vmem>>, vector<16xf32>,
        %parallel_loop3A_228 = arith.index_cast %parallel_loop3A_206 : i32 to index
        %parallel_loop3A_229 = arith.constant 48 : index
        %parallel_loop3A_230 = tpu.vector_load %arg9[%parallel_loop3A_228, %parallel_loop3A_229] {strides = array<i32>} : memref<256x128xf32, #tpu.memory_space<vmem>>, vector<16xf32>,
        %parallel_loop3A_231 = arith.addf %parallel_loop3A_230, %gather3A_194 : vector<16xf32>
        %parallel_loop3A_232 = arith.index_cast %parallel_loop3A_206 : i32 to index
        %parallel_loop3A_233 = arith.constant 48 : index
        %parallel_loop3A_234 = tpu.vector_load %arg9[%parallel_loop3A_232, %parallel_loop3A_233] {strides = array<i32>} : memref<256x128xf32, #tpu.memory_space<vmem>>, vector<16xf32>,
        tpu.vector_store %arg9[%parallel_loop3A_232, %parallel_loop3A_233], %parallel_loop3A_231 {strides = array<i32>} : memref<256x128xf32, #tpu.memory_space<vmem>>, vector<16xf32>,
      } {sc.loop_unroll_factor = 4 : i64, sc.parallel_access}
      %add3A_198 = arith.addi %mul3A_2, %add3A_145 : i32
      %shift_left3A_199 = arith.constant 8 : i32
      %shift_left3A_200 = arith.shli %add3A_198, %shift_left3A_199 : i32
      %multiple_of3A_201 = tpu.assume_multiple %shift_left3A_200, 256 : i32
      %dma_start3A_202 = arith.constant 0 : i32
      %dma_start3A_203 = tpu.memref_slice %arg5[%multiple_of3A_201, %dma_start3A_202] : memref<204800x128xf32, #tpu.memory_space<hbm>> -> memref<256x128xf32, #tpu.memory_space<hbm>>
      %dma_start3A_204 = arith.constant 0 : i32
      %dma_start3A_205 = tpu.memref_slice %arg5[%multiple_of3A_201, %dma_start3A_204] : memref<204800x128xf32, #tpu.memory_space<hbm>> -> memref<256x128xf32, #tpu.memory_space<hbm>>
      tpu.enqueue_dma source(%arg9 : memref<256x128xf32, #tpu.memory_space<vmem>>) target(%dma_start3A_205 : memref<256x128xf32, #tpu.memory_space<hbm>>) target_semaphore(%arg16 : memref<!tpu.dma_semaphore, #tpu.memory_space<semaphore_mem>>)
    }
    %scan3A_18 = arith.constant 12 : i32
    %dma_wait3A = arith.constant 0 : i32
    %dma_wait3A_19 = arith.constant 0 : i32
    %dma_wait3A_20 = tpu.memref_slice %arg5[%dma_wait3A, %dma_wait3A_19] : memref<204800x128xf32, #tpu.memory_space<hbm>> -> memref<256x128xf32, #tpu.memory_space<hbm>>
    %dma_wait3A_21 = arith.constant 0 : i32
    %dma_wait3A_22 = arith.constant 0 : i32
    %dma_wait3A_23 = tpu.memref_slice %arg5[%dma_wait3A_21, %dma_wait3A_22] : memref<204800x128xf32, #tpu.memory_space<hbm>> -> memref<256x128xf32, #tpu.memory_space<hbm>>
    tpu.wait_dma2 semaphore(%arg15 : memref<!tpu.dma_semaphore, #tpu.memory_space<semaphore_mem>>) src(%arg8 : memref<256x128xf32, #tpu.memory_space<vmem>>) dst(%dma_wait3A_23 : memref<256x128xf32, #tpu.memory_space<hbm>>)
    %dma_wait3A_24 = arith.constant 0 : i32
    %dma_wait3A_25 = tpu.memref_slice %arg2[%dma_wait3A_24] : memref<204800xi32, #tpu.memory_space<hbm>> -> memref<256xi32, #tpu.memory_space<hbm>>
    %dma_wait3A_26 = arith.constant 0 : i32
    %dma_wait3A_27 = tpu.memref_slice %arg2[%dma_wait3A_26] : memref<204800xi32, #tpu.memory_space<hbm>> -> memref<256xi32, #tpu.memory_space<hbm>>
    tpu.wait_dma2 semaphore(%arg11 : memref<!tpu.dma_semaphore, #tpu.memory_space<semaphore_mem>>) src(%dma_wait3A_27 : memref<256xi32, #tpu.memory_space<hbm>>) dst(%arg6 : memref<256xi32, #tpu.memory_space<vmem>>)
    %dma_start3A_28 = arith.constant 0 : i32
    %dma_start3A_29 = arith.constant 0 : i32
    %dma_start3A_30 = tpu.memref_slice %arg3[%dma_start3A_28, %dma_start3A_29] : memref<1000000x128xf32, #tpu.memory_space<hbm>> -> memref<1000000x128xf32, #tpu.memory_space<hbm>>
    tpu.enqueue_indirect_dma source(%dma_start3A_30 : memref<1000000x128xf32, #tpu.memory_space<hbm>>) target(%arg8 : memref<256x128xf32, #tpu.memory_space<vmem>>) offsets(%arg6 : memref<256xi32, #tpu.memory_space<vmem>>) semaphore(%arg13 : memref<!tpu.dma_semaphore, #tpu.memory_space<semaphore_mem>>)
    %dma_wait3A_31 = arith.constant 0 : i32
    %dma_wait3A_32 = arith.constant 0 : i32
    %dma_wait3A_33 = tpu.memref_slice %arg3[%dma_wait3A_31, %dma_wait3A_32] : memref<1000000x128xf32, #tpu.memory_space<hbm>> -> memref<1000000x128xf32, #tpu.memory_space<hbm>>
    tpu.wait_indirect_dma semaphore(%arg13 : memref<!tpu.dma_semaphore, #tpu.memory_space<semaphore_mem>>) src(%dma_wait3A_33 : memref<1000000x128xf32, #tpu.memory_space<hbm>>) dst(%arg8 : memref<256x128xf32, #tpu.memory_space<vmem>>)
    %add3A_34 = arith.constant 24 : i32
    %add3A_35 = arith.addi %mul3A_2, %add3A_34 : i32
    %shift_right_arithmetic3A = arith.constant 2 : i32
    %shift_right_arithmetic3A_36 = arith.shrsi %add3A_35, %shift_right_arithmetic3A : i32
    %broadcast_in_dim3A = arith.constant 0 : i32
    %broadcast_in_dim3A_37 = vector.broadcast %broadcast_in_dim3A : i32 to vector<16xi32>
    %add3A_38 = vector.broadcast %shift_right_arithmetic3A_36 : i32 to vector<16xi32>
    %add3A_39 = arith.addi %broadcast_in_dim3A_37, %add3A_38 : vector<16xi32>
    %iota3A = tpu.iota {dimensions = array<i32: 0>} : vector<16xi32>
    %add3A_40 = arith.constant 0 : i32
    %add3A_41 = vector.broadcast %add3A_40 : i32 to vector<16xi32>
    %add3A_42 = arith.addi %iota3A, %add3A_41 : vector<16xi32>
    %gather3A = tpu.vector_load_idx %arg10[%add3A_42, %add3A_39] : memref<64x256xf32, #tpu.memory_space<vmem>>[vector<16xi32>, vector<16xi32>], vector<16xf32>,
    %iota3A_43 = tpu.iota {dimensions = array<i32: 0>} : vector<16xi32>
    %add3A_44 = arith.constant 16 : i32
    %add3A_45 = vector.broadcast %add3A_44 : i32 to vector<16xi32>
    %add3A_46 = arith.addi %iota3A_43, %add3A_45 : vector<16xi32>
    %gather3A_47 = tpu.vector_load_idx %arg10[%add3A_46, %add3A_39] : memref<64x256xf32, #tpu.memory_space<vmem>>[vector<16xi32>, vector<16xi32>], vector<16xf32>,
    %iota3A_48 = tpu.iota {dimensions = array<i32: 0>} : vector<16xi32>
    %add3A_49 = arith.constant 32 : i32
    %add3A_50 = vector.broadcast %add3A_49 : i32 to vector<16xi32>
    %add3A_51 = arith.addi %iota3A_48, %add3A_50 : vector<16xi32>
    %gather3A_52 = tpu.vector_load_idx %arg10[%add3A_51, %add3A_39] : memref<64x256xf32, #tpu.memory_space<vmem>>[vector<16xi32>, vector<16xi32>], vector<16xf32>,
    %iota3A_53 = tpu.iota {dimensions = array<i32: 0>} : vector<16xi32>
    %add3A_54 = arith.constant 48 : i32
    %add3A_55 = vector.broadcast %add3A_54 : i32 to vector<16xi32>
    %add3A_56 = arith.addi %iota3A_53, %add3A_55 : vector<16xi32>
    %gather3A_57 = tpu.vector_load_idx %arg10[%add3A_56, %add3A_39] : memref<64x256xf32, #tpu.memory_space<vmem>>[vector<16xi32>, vector<16xi32>], vector<16xf32>,
    %parallel_loop3A = arith.constant 0 : i32
    %parallel_loop3A_58 = arith.constant 256 : i32
    %parallel_loop3A_59 = arith.constant 1 : i32
    scf.for %parallel_loop3A_81 = %parallel_loop3A to %parallel_loop3A_58 step %parallel_loop3A_59  : i32 {
      %parallel_loop3A_82 = arith.index_cast %parallel_loop3A_81 : i32 to index
      %parallel_loop3A_83 = arith.constant 0 : index
      %parallel_loop3A_84 = tpu.vector_load %arg8[%parallel_loop3A_82, %parallel_loop3A_83] {strides = array<i32>} : memref<256x128xf32, #tpu.memory_space<vmem>>, vector<16xf32>,
      %parallel_loop3A_85 = arith.addf %parallel_loop3A_84, %gather3A : vector<16xf32>
      %parallel_loop3A_86 = arith.index_cast %parallel_loop3A_81 : i32 to index
      %parallel_loop3A_87 = arith.constant 0 : index
      %parallel_loop3A_88 = tpu.vector_load %arg8[%parallel_loop3A_86, %parallel_loop3A_87] {strides = array<i32>} : memref<256x128xf32, #tpu.memory_space<vmem>>, vector<16xf32>,
      tpu.vector_store %arg8[%parallel_loop3A_86, %parallel_loop3A_87], %parallel_loop3A_85 {strides = array<i32>} : memref<256x128xf32, #tpu.memory_space<vmem>>, vector<16xf32>,
      %parallel_loop3A_89 = arith.index_cast %parallel_loop3A_81 : i32 to index
      %parallel_loop3A_90 = arith.constant 16 : index
      %parallel_loop3A_91 = tpu.vector_load %arg8[%parallel_loop3A_89, %parallel_loop3A_90] {strides = array<i32>} : memref<256x128xf32, #tpu.memory_space<vmem>>, vector<16xf32>,
      %parallel_loop3A_92 = arith.addf %parallel_loop3A_91, %gather3A_47 : vector<16xf32>
      %parallel_loop3A_93 = arith.index_cast %parallel_loop3A_81 : i32 to index
      %parallel_loop3A_94 = arith.constant 16 : index
      %parallel_loop3A_95 = tpu.vector_load %arg8[%parallel_loop3A_93, %parallel_loop3A_94] {strides = array<i32>} : memref<256x128xf32, #tpu.memory_space<vmem>>, vector<16xf32>,
      tpu.vector_store %arg8[%parallel_loop3A_93, %parallel_loop3A_94], %parallel_loop3A_92 {strides = array<i32>} : memref<256x128xf32, #tpu.memory_space<vmem>>, vector<16xf32>,
      %parallel_loop3A_96 = arith.index_cast %parallel_loop3A_81 : i32 to index
      %parallel_loop3A_97 = arith.constant 32 : index
      %parallel_loop3A_98 = tpu.vector_load %arg8[%parallel_loop3A_96, %parallel_loop3A_97] {strides = array<i32>} : memref<256x128xf32, #tpu.memory_space<vmem>>, vector<16xf32>,
      %parallel_loop3A_99 = arith.addf %parallel_loop3A_98, %gather3A_52 : vector<16xf32>
      %parallel_loop3A_100 = arith.index_cast %parallel_loop3A_81 : i32 to index
      %parallel_loop3A_101 = arith.constant 32 : index
      %parallel_loop3A_102 = tpu.vector_load %arg8[%parallel_loop3A_100, %parallel_loop3A_101] {strides = array<i32>} : memref<256x128xf32, #tpu.memory_space<vmem>>, vector<16xf32>,
      tpu.vector_store %arg8[%parallel_loop3A_100, %parallel_loop3A_101], %parallel_loop3A_99 {strides = array<i32>} : memref<256x128xf32, #tpu.memory_space<vmem>>, vector<16xf32>,
      %parallel_loop3A_103 = arith.index_cast %parallel_loop3A_81 : i32 to index
      %parallel_loop3A_104 = arith.constant 48 : index
      %parallel_loop3A_105 = tpu.vector_load %arg8[%parallel_loop3A_103, %parallel_loop3A_104] {strides = array<i32>} : memref<256x128xf32, #tpu.memory_space<vmem>>, vector<16xf32>,
      %parallel_loop3A_106 = arith.addf %parallel_loop3A_105, %gather3A_57 : vector<16xf32>
      %parallel_loop3A_107 = arith.index_cast %parallel_loop3A_81 : i32 to index
      %parallel_loop3A_108 = arith.constant 48 : index
      %parallel_loop3A_109 = tpu.vector_load %arg8[%parallel_loop3A_107, %parallel_loop3A_108] {strides = array<i32>} : memref<256x128xf32, #tpu.memory_space<vmem>>, vector<16xf32>,
      tpu.vector_store %arg8[%parallel_loop3A_107, %parallel_loop3A_108], %parallel_loop3A_106 {strides = array<i32>} : memref<256x128xf32, #tpu.memory_space<vmem>>, vector<16xf32>,
    } {sc.loop_unroll_factor = 4 : i64, sc.parallel_access}
    %add3A_60 = arith.constant 24 : i32
    %add3A_61 = arith.addi %mul3A_2, %add3A_60 : i32
    %shift_left3A_62 = arith.constant 8 : i32
    %shift_left3A_63 = arith.shli %add3A_61, %shift_left3A_62 : i32
    %multiple_of3A_64 = tpu.assume_multiple %shift_left3A_63, 256 : i32
    %dma_start3A_65 = arith.constant 0 : i32
    %dma_start3A_66 = tpu.memref_slice %arg5[%multiple_of3A_64, %dma_start3A_65] : memref<204800x128xf32, #tpu.memory_space<hbm>> -> memref<256x128xf32, #tpu.memory_space<hbm>>
    %dma_start3A_67 = arith.constant 0 : i32
    %dma_start3A_68 = tpu.memref_slice %arg5[%multiple_of3A_64, %dma_start3A_67] : memref<204800x128xf32, #tpu.memory_space<hbm>> -> memref<256x128xf32, #tpu.memory_space<hbm>>
    tpu.enqueue_dma source(%arg8 : memref<256x128xf32, #tpu.memory_space<vmem>>) target(%dma_start3A_68 : memref<256x128xf32, #tpu.memory_space<hbm>>) target_semaphore(%arg15 : memref<!tpu.dma_semaphore, #tpu.memory_space<semaphore_mem>>)
    %dma_wait3A_69 = arith.constant 0 : i32
    %dma_wait3A_70 = arith.constant 0 : i32
    %dma_wait3A_71 = tpu.memref_slice %arg5[%dma_wait3A_69, %dma_wait3A_70] : memref<204800x128xf32, #tpu.memory_space<hbm>> -> memref<256x128xf32, #tpu.memory_space<hbm>>
    %dma_wait3A_72 = arith.constant 0 : i32
    %dma_wait3A_73 = arith.constant 0 : i32
    %dma_wait3A_74 = tpu.memref_slice %arg5[%dma_wait3A_72, %dma_wait3A_73] : memref<204800x128xf32, #tpu.memory_space<hbm>> -> memref<256x128xf32, #tpu.memory_space<hbm>>
    tpu.wait_dma2 semaphore(%arg15 : memref<!tpu.dma_semaphore, #tpu.memory_space<semaphore_mem>>) src(%arg8 : memref<256x128xf32, #tpu.memory_space<vmem>>) dst(%dma_wait3A_74 : memref<256x128xf32, #tpu.memory_space<hbm>>)
    %dma_wait3A_75 = arith.constant 0 : i32
    %dma_wait3A_76 = arith.constant 0 : i32
    %dma_wait3A_77 = tpu.memref_slice %arg5[%dma_wait3A_75, %dma_wait3A_76] : memref<204800x128xf32, #tpu.memory_space<hbm>> -> memref<256x128xf32, #tpu.memory_space<hbm>>
    %dma_wait3A_78 = arith.constant 0 : i32
    %dma_wait3A_79 = arith.constant 0 : i32
    %dma_wait3A_80 = tpu.memref_slice %arg5[%dma_wait3A_78, %dma_wait3A_79] : memref<204800x128xf32, #tpu.memory_space<hbm>> -> memref<256x128xf32, #tpu.memory_space<hbm>>
    tpu.wait_dma2 semaphore(%arg16 : memref<!tpu.dma_semaphore, #tpu.memory_space<semaphore_mem>>) src(%arg9 : memref<256x128xf32, #tpu.memory_space<vmem>>) dst(%dma_wait3A_80 : memref<256x128xf32, #tpu.memory_space<hbm>>)
    return
  }
}

</mosaic_0001>

<sc_bundles>
// kernel: kernel.3.cloned.1.call-start
scs
__scs_entry_jumppad:
0x0: {  	(pc) =	sbr.rel $0x88, $3  }
0x1: {  	(tag) =	ssettag $0x0;
	lr =	simm.s32 $0x1  }
0x2: {  	[smem:$0x3F9E] =	sst lr;
	_ =	strace $0xD0000000  }
0x3: {  	_ = 	snop  }
0x4: {  	_ = 	snop  }
0x5: {  	_ = 	snop  }
0x6: {  	_ = 	snop  }
0x7: {  	_ = 	snop  }
__scs_overlays_trampoline_lowered:
0x8: {  	[smem:$0x3FAD] =	sst s0  }
0x9: {  	[smem:$0x3FAE] =	sst s1  }
0xa: {  	[smem:$0x3FAF] =	sst s2  }
0xb: {  	[smem:$0x3FB0] =	sst s3  }
0xc: {  	[smem:$0x3FB1] =	sst s4  }
0xd: {  	[smem:$0x3FB2] =	sst s5  }
0xe: {  	[smem:$0x3FB3] =	sst s6  }
0xf: {  	[smem:$0x3FB4] =	sst s7  }
0x10: {  	[smem:$0x3FB5] =	sst s8  }
0x11: {  	[smem:$0x3FB6] =	sst s9;
	s0 =	simm.s32 @!p0 $0x0  }
0x12: {  	s1 =	sld [smem:$0x3F9C];
	s0 =	simm.s32 @p0 $0x1  }
0x13: {  	[smem:$0x3FB7] =	sst s0;
	s0 =	simm.s32 @!p1 $0x0  }
0x14: {  	s2 =	sld [smem:$0x3F9B];
	s0 =	simm.s32 @p1 $0x1  }
0x15: {  	[smem:$0x3FB8] =	sst s0;
	s0 =	simm.s32 @!p2 $0x0  }
0x16: {  	s3 =	sld [smem:$0x3FDB];
	s0 =	simm.s32 @p2 $0x1  }
0x17: {  	s4 =	simm.s32 $0x1BF5;
	[smem:$0x3FBA] =	sst s0  }
0x18: {  	s0 =	sld [smem:$0x3F9D];
	_ =	swait.ge [sflag:s4], $0x0  }
0x19: {  	s7 =	sld [smem:$0x3F9E]  }
0x1a: {  	s8 =	sadd.s32 $0xFFFFE003, lr  }
0x1b: {  	s9 =	sadd.s32 $0xFFFFFEF7, lr;
	s5 =	simm.s32 $0xFFFFFFFF;
	p2 =	slt.u32 s8, $0xFFFFF086  }
0x1c: {  	p1 =	slt.u32 s9, $0xF7A;
	s5 =	simm.s32 @!p2 $0x0  }
0x1d: {  	s5 =	simm.s32 @p1 $0x1;
	p0 =	seq.s32 s7, s2  }
0x1e: {  	s7 =	smul.u32 @!p0 $0xF7A, s2;
	p2 =	seq.s32 @!p0 s5, $0x0  }
0x1f: {  	s9 =	smul.u32 $0xF7A, s1;
	s8 =	simm.s32 @!p0 $0x1BF5;
	p2 =	por !p2, p0  }
0x20: {  	[sflag:s8] =	ssyncset.s32 @!p0 $0xFFFFF086;
	s6 =	sadd.s32 @!p0 s3, s7;
	s7 =	simm.s32 @!p0 $0x108  }
0x21: {  	s3 =	sadd.s32 s3, s9;
	s6 =	sadd.s32 @!p0 $0x88, s6;
	s7 =	simm.s32 @p2 $0x1082  }
0x22: {  	[simem:s7], [sflag:s8] =	dma.local @!p0 [hbm:s6], $0xF7A  }
0x23: {  	s9 =	sor.u32 $0xD0000000, s2;
	s6 =	simm.s32 $0x108;
	_ =	swait.ge @!p0 [sflag:s8], $0x0  }
0x24: {  	s3 =	sadd.s32 $0x88, s3;
	s6 =	simm.s32 @!p1 $0x1082;
	[sflag:s4] =	ssyncset.s32 $0xFFFFF086  }
0x25: {  	[simem:s6], [sflag:s4] =	dma.local [hbm:s3], $0xF7A  }
0x26: {  	[smem:$0x3F9E] =	sst s1;
	(tag) =	ssettag s2;
	_ =	strace s9  }
0x27: {  	s1 =	sld [smem:$0x3FAE]  }
0x28: {  	s2 =	sld [smem:$0x3FAF]  }
0x29: {  	s4 =	sld [smem:$0x3FB1]  }
0x2a: {  	p0 =	seq.s32 s5, $0x0;
	s5 =	sld [smem:$0x3FB2]  }
0x2b: {  	s6 =	sld [smem:$0x3FB3]  }
0x2c: {  	s7 =	sld [smem:$0x3FB4]  }
0x2d: {  	s3 =	simm.s32 $0x108;
	s8 =	sld [smem:$0x3FB5]  }
0x2e: {  	s3 =	simm.s32 @!p0 $0x1082;
	s9 =	sld [smem:$0x3FB6]  }
0x2f: {  	lr =	sadd.s32 s0, s3;
	s0 =	sld [smem:$0x3FAD]  }
0x30: {  	s3 =	sld [smem:$0x3FB0]  }
0x31: {  	[smem:$0x3FB9] =	sst s10  }
0x32: {  	s10 =	sld [smem:$0x3FB7];
	_ =	sdelay $0x3  }
0x33: {  	p0 =	seq.s32 s10, $0x1;
	s10 =	sld [smem:$0x3FB9];
	_ =	sdelay $0x3  }
0x34: {  	[smem:$0x3FB9] =	sst s10  }
0x35: {  	s10 =	sld [smem:$0x3FB8];
	_ =	sdelay $0x3  }
0x36: {  	p1 =	seq.s32 s10, $0x1;
	s10 =	sld [smem:$0x3FB9];
	_ =	sdelay $0x3  }
0x37: {  	[smem:$0x3FB9] =	sst s10  }
0x38: {  	s10 =	sld [smem:$0x3FBA]  }
0x39: {  	_ = 	snop;
	(pc) =	sbr.ind lr, $3  }
0x3a: {  	_ = 	snop  }
0x3b: {  	_ = 	snop  }
0x3c: {  	p2 =	seq.s32 s10, $0x1;
	s10 =	sld [smem:$0x3FB9]  }
0x3d: {  	_ =	shalt  }
0x3e: {  	_ =	shalt  }
0x3f: {  	_ =	shalt  }
0x40: {  	_ =	shalt  }
0x41: {  	_ =	shalt  }
0x42: {  	_ =	shalt  }
0x43: {  	_ =	shalt  }
0x44: {  	_ =	shalt  }
0x45: {  	_ =	shalt  }
0x46: {  	_ =	shalt  }
0x47: {  	_ =	shalt  }
0x48: {  	_ =	shalt  }
0x49: {  	_ =	shalt  }
0x4a: {  	_ =	shalt  }
0x4b: {  	_ =	shalt  }
0x4c: {  	_ =	shalt  }
0x4d: {  	_ =	shalt  }
0x4e: {  	_ =	shalt  }
0x4f: {  	_ =	shalt  }
0x50: {  	_ =	shalt  }
0x51: {  	_ =	shalt  }
0x52: {  	_ =	shalt  }
0x53: {  	_ =	shalt  }
0x54: {  	_ =	shalt  }
0x55: {  	_ =	shalt  }
0x56: {  	_ =	shalt  }
0x57: {  	_ =	shalt  }
0x58: {  	_ =	shalt  }
0x59: {  	_ =	shalt  }
0x5a: {  	_ =	shalt  }
0x5b: {  	_ =	shalt  }
0x5c: {  	_ =	shalt  }
0x5d: {  	_ =	shalt  }
0x5e: {  	_ =	shalt  }
0x5f: {  	_ =	shalt  }
0x60: {  	_ =	shalt  }
0x61: {  	_ =	shalt  }
0x62: {  	_ =	shalt  }
0x63: {  	_ =	shalt  }
0x64: {  	_ =	shalt  }
0x65: {  	_ =	shalt  }
0x66: {  	_ =	shalt  }
0x67: {  	_ =	shalt  }
0x68: {  	_ =	shalt  }
0x69: {  	_ =	shalt  }
0x6a: {  	_ =	shalt  }
0x6b: {  	_ =	shalt  }
0x6c: {  	_ =	shalt  }
0x6d: {  	_ =	shalt  }
0x6e: {  	_ =	shalt  }
0x6f: {  	_ =	shalt  }
0x70: {  	_ =	shalt  }
0x71: {  	_ =	shalt  }
0x72: {  	_ =	shalt  }
0x73: {  	_ =	shalt  }
0x74: {  	_ =	shalt  }
0x75: {  	_ =	shalt  }
0x76: {  	_ =	shalt  }
0x77: {  	_ =	shalt  }
0x78: {  	_ =	shalt  }
0x79: {  	_ =	shalt  }
0x7a: {  	_ =	shalt  }
0x7b: {  	_ =	shalt  }
0x7c: {  	_ =	shalt  }
0x7d: {  	_ =	shalt  }
0x7e: {  	_ =	shalt  }
0x7f: {  	_ =	shalt  }
0x80: {  	_ =	shalt  }
0x81: {  	_ =	shalt  }
0x82: {  	_ =	shalt  }
0x83: {  	_ =	shalt  }
0x84: {  	_ =	shalt  }
0x85: {  	_ =	shalt  }
0x86: {  	_ =	shalt  }
0x87: {  	_ =	shalt  }
.Lfunc_end0:
.L_simem_size_0:
called_computation.1_lowered:
.L_overlay_start_0:
0x88: {  	s2 =	sld [smem:$0x3FD9]  }
0x89: {  	s3 =	sld [smem:$0x3FFE];
	_ =	sdelay $0x1  }
0x8a: {  	s1 =	srdreg.scid  }
0x8b: {  	s0 =	sand.u32 $0x1, s1  }
0x8c: {  	s17 =	sshll.u32 s0, $0xA;
	s2 =	sadd.s32 s3, s2  }
0x8d: {  	s2 =	sadd.s32 s2, s17  }
0x8e: {  	[smem:$0x3FC5] =	sst s2  }
0x8f: {  	_ = 	snop  }
0x90: {  	s2 =	sld [smem:$0x3FC7]  }
0x91: {  	s18 =	sld [smem:$0x3FD0];
	(tm) =	ssettm $0x1  }
0x92: {  	s4 =	sld [smem:$0x3FFB];
	_ =	sdelay $0x3  }
0x93: {  	_ =	strace s4  }
0x94: {  	s4 =	sld [smem:$0x3FFC];
	_ =	sdelay $0x3  }
0x95: {  	_ =	strace s4  }
0x96: {  	s4 =	sld [smem:$0x3FFD];
	_ =	sdelay $0x3  }
0x97: {  	_ =	strace s4  }
0x98: {  	_ =	strace $0x8FFFFFFF  }
0x99: {  	s19 =	sld [smem:$0x3FDB];
	_ =	sdelay $0x1  }
0x9a: {  	s5 =	simm.s32 $_scs_section_size  }
0x9b: {  	s6 =	simm.s32 $_size__tile_overlayer_lowered;
	s7 =	simm.s32 $_tile_overlayer_lowered  }
0x9c: {  	s22 =	simm.s32 $0x1BFF;
	s21 =	sshll.u32 s7, $0x1;
	s4 =	sadd.s32 s5, s19  }
0x9d: {  	s8 =	simm.s32 $0x0;
	s20 =	sshll.u32 s6, $0x1;
	s6 =	sadd.s32 s21, s4  }
0x9e: {  	[timem:s8], [sflag:s22] =	dma.local [hbm:s6], s20  }
0x9f: {  	_ =	swait.ge [sflag:s22], s20  }
0xa0: {  	s5 =	ssub.s32 $0x0, s20;
	[sflag:s22] =	ssyncset.done $0x0  }
0xa1: {  	[sflag:s22] =	ssyncadd.s32 s5;
	_ =	sdelay $0x1  }
0xa2: {  	s23 =	simm.s32 $0x1B8B  }
0xa3: {  	_ =	swait.ge [sflag:s23], $0x1  }
0xa4: {  	[sflag:s23] =	ssyncset.done $0x0  }
0xa5: {  	s25 =	simm.s32 $0x1B8E;
	s24 =	sld [smem:$0x3FFE];
	[sflag:s23] =	ssyncadd.s32 $0xFFFFFFFF  }
0xa6: {  	s26 =	simm.s32 $execute0_lowered;
	[smem:$0x3FD2] =	sst s25  }
0xa7: {  	s6 =	sshll.u32 s26, $0x1;
	_ =	strace $0x80000046;
	[dreg:$0x1] =	wrdreg $0xFFFFFFFF  }
0xa8: {  	s28 =	simm.s32 $_size_execute0_lowered;
	s4 =	sadd.s32 s4, s6;
	[dreg:$0x0] =	wrdreg $0x0  }
0xa9: {  	s6 =	sshll.u32 s28, $0x1;
	[dreg:$0x2] =	wrdreg s4  }
0xaa: {  	[dreg:$0x3] =	wrdreg s6  }
0xab: {  	[dreg:$0x4] =	wrdreg $0xC0  }
0xac: {  	_ =	task [dreg:s8], $0x5FFFF  }
0xad: {  	[dreg:$0x1] =	wrdreg $0xFFFFFFFF  }
0xae: {  	[dreg:$0x0] =	wrdreg $0x60  }
0xaf: {  	[dreg:$0x2] =	wrdreg s18  }
0xb0: {  	[dreg:$0x3] =	wrdreg s24  }
0xb1: {  	[dreg:$0x4] =	wrdreg s2  }
0xb2: {  	[dreg:$0x5] =	wrdreg $0x9  }
0xb3: {  	_ =	task.clear_ibuf [dreg:s8], $0x6FFFF;
	_ =	strace $0x90000046  }
0xb4: {  	s29 =	simm.s32 $0x9;
	_ =	strace $0x80000048  }
0xb5: {  	_ =	swait.ge [sflag:s29], $0x1  }
0xb6: {  	[sflag:s29] =	ssyncadd.s32 $0xFFFFFFFF  }
0xb7: {  	_ =	strace $0x90000048  }
0xb8: {  	_ =	sfence  }
0xb9: {  	s30 =	sld [smem:$0x0];
	_ =	sdelay $0x2  }
0xba: {  	s31 =	sshll.u32 s1, $0xD;
	s1 =	sshrl.u32 s1, $0x2  }
0xbb: {  	s3 =	sand.u32 $0x4000, s31;
	s1 =	sadd.s32 s1, s30  }
0xbc: {  	s0 =	sor.u32 s3, s0;
	s1 =	sshll.u32 s1, $0x11  }
0xbd: {  	s0 =	sor.u32 s1, s0  }
0xbe: {  	s0 =	sadd.s32 $0x8F2B, s0  }
0xbf: {  	[sflag:s0] =	ssyncadd.remote.s32 $0x1  }
0xc0: {  	_ =	sfence.sel $0xFFFF  }
0xc1: {  	[dreg:$0x0] =	wrdreg $0xFFFFFFFF;
	(pc) =	sbr.abs _section_cstart, $3  }
0xc2: {  	[dreg:$0x1] =	wrdreg $0xFFFFFFFF  }
0xc3: {  	_ =	task.clear_ibuf [dreg:s8], $0x2FFFF;
	_ =	strace $0x9FFFFFFF  }
0xc4: {  	(tm) =	ssettm $0x7FFFFFFF  }
0xc5: {  	_ =	shalt  }
tec
execute0_lowered:
.L_overlay_start_1:
0x0: {  	(tag) =	ssettag $0x1  }
0x1: {  	v0 =	vimm.s32 $0xB80  }
0x2: {  	vm14 =	vcmask $0x300;
	vm13 =	vcmask $0x704;
	vm12 =	vcmask $0xB08  }
0x3: {  	vm10 =	vcmask $0xF0C;
	vm11 =	vcmask $0x1310;
	vm9 =	vcmask $0x1714  }
0x4: {  	s0 =	srdreg.scid;
	s1 =	stileid.u32;
	vm8 =	vcmask $0x1B18;
	vm7 =	vcmask $0x1F1C;
	vm6 =	vcmask $0x2320  }
0x5: {  	vm5 =	vcmask $0x2724;
	vm4 =	vcmask $0x2B28;
	vm3 =	vcmask $0x2F2C;
	s4 =	sand.u32 $0x1, s0;
	s29 =	sshll.u32 s1, $0x1  }
0x6: {  	vm2 =	vcmask $0x3330;
	vm1 =	vcmask $0x3734;
	vm0 =	vcmask $0x3B38;
	s3 =	sor.u32 s4, s29  }
0x7: {  	v3 =	vimm.s32 $0x2B80;
	v4 =	vimm.s32 $0x3B80;
	v0 =	vsel vm14, $0x0, v0;
	s1 =	smul.u32 $0x19, s3  }
0x8: {  	v3 =	vsel vm14, $0x2000, v3;
	v4 =	vsel vm14, $0x3000, v4;
	v0 =	vsel vm13, $0x80, v0  }
0x9: {  	v3 =	vsel vm13, $0x2080, v3;
	v4 =	vsel vm13, $0x3080, v4;
	v0 =	vsel vm12, $0x100, v0;
	s30 =	sadd.s32 $0x18, s1  }
0xa: {  	v3 =	vsel vm12, $0x2100, v3;
	v4 =	vsel vm12, $0x3100, v4;
	v0 =	vsel vm10, $0x180, v0;
	s2 =	sshrl.u32 s30, $0x2  }
0xb: {  	v3 =	vsel vm10, $0x2180, v3;
	v4 =	vsel vm10, $0x3180, v4;
	v1 =	vmov s2  }
0xc: {  	v0 =	vsel vm11, $0x200, v0;
	v2 =	vand.u32 $0x7F, v1;
	v1 =	vshll.u32 v1, $0x3  }
0xd: {  	v3 =	vsel vm11, $0x2200, v3;
	v4 =	vsel vm11, $0x3200, v4;
	v1 =	vand.u32 $0xFFFFFC00, v1  }
0xe: {  	v0 =	vsel vm9, $0x280, v0;
	v7 =	vor.u32 v2, v1;
	v2 =	vimm.s32 $0x1B80  }
0xf: {  	v3 =	vsel vm9, $0x2280, v3;
	v4 =	vsel vm9, $0x3280, v4;
	v2 =	vsel vm14, $0x1000, v2  }
0x10: {  	v0 =	vsel vm8, $0x300, v0;
	v3 =	vsel vm8, $0x2300, v3;
	v2 =	vsel vm13, $0x1080, v2  }
0x11: {  	v4 =	vsel vm8, $0x3300, v4;
	v0 =	vsel vm7, $0x380, v0;
	v2 =	vsel vm12, $0x1100, v2  }
0x12: {  	v3 =	vsel vm7, $0x2380, v3;
	v4 =	vsel vm7, $0x3380, v4;
	v2 =	vsel vm10, $0x1180, v2  }
0x13: {  	s7 =	rddreg [dreg:$0x1];
	s5 =	simm.s32 $0x0;
	v0 =	vsel vm6, $0x800, v0;
	v3 =	vsel vm6, $0x2800, v3;
	v2 =	vsel vm11, $0x1200, v2  }
0x14: {  	s14 =	simm.s32 $0x800;
	s15 =	simm.s32 $0x1000;
	s16 =	simm.s32 $0x10200;
	v4 =	vsel vm6, $0x3800, v4;
	v0 =	vsel vm5, $0x880, v0;
	v2 =	vsel vm9, $0x1280, v2  }
0x15: {  	s17 =	simm.s32 $0x7;
	s18 =	simm.s32 $0x100;
	s19 =	simm.s32 $0x1;
	v3 =	vsel vm5, $0x2880, v3;
	v4 =	vsel vm5, $0x3880, v4;
	v2 =	vsel vm8, $0x1300, v2  }
0x16: {  	s20 =	simm.s32 $0x200;
	s21 =	simm.s32 $0x3;
	s22 =	simm.s32 $0x2;
	v0 =	vsel vm4, $0x900, v0;
	v3 =	vsel vm4, $0x2900, v3;
	v2 =	vsel vm7, $0x1380, v2  }
0x17: {  	s23 =	simm.s32 $0x8200;
	s24 =	simm.s32 $0x4;
	s25 =	simm.s32 $0x5;
	v4 =	vsel vm4, $0x3900, v4;
	v0 =	vsel vm3, $0x980, v0;
	v2 =	vsel vm6, $0x1800, v2  }
0x18: {  	s26 =	simm.s32 $0x6;
	s28 =	simm.s32 $0x0;
	[smem:$0x7FF] =	sst s5;
	v3 =	vsel vm3, $0x2980, v3;
	v4 =	vsel vm3, $0x3980, v4;
	v2 =	vsel vm5, $0x1880, v2  }
0x19: {  	s6 =	sadd.s32 $0xF42E00, s7;
	s4 =	ssub.s32 $0x2, s4;
	s8 =	smul.u32 $0x1900, s3;
	v0 =	vsel vm2, $0xA00, v0;
	v3 =	vsel vm2, $0x2A00, v3;
	v2 =	vsel vm4, $0x1900, v2  }
0x1a: {  	s7 =	sadd.s32 $0xA00, s7;
	s9 =	sshrl.u32 s4, $0x1;
	s3 =	smul.u32 $0x320, s3;
	v4 =	vsel vm2, $0x3A00, v4;
	v0 =	vsel vm1, $0xA80, v0;
	v2 =	vsel vm3, $0x1980, v2  }
0x1b: {  	s4 =	ssub.s32 s4, s9;
	s8 =	sshrl.u32 s8, $0x3;
	s10 =	sadd.s32 $0x2, s1;
	v3 =	vsel vm1, $0x2A80, v3;
	v4 =	vsel vm1, $0x3A80, v4;
	v2 =	vsel vm2, $0x1A00, v2  }
0x1c: {  	s11 =	sadd.s32 $0x3, s1;
	s13 =	smax.u32 s4, $0x1;
	s2 =	rddreg [dreg:$0x0];
	v0 =	vsel vm0, $0xB00, v0;
	v3 =	vsel vm0, $0x2B00, v3;
	v2 =	vsel vm1, $0x1A80, v2  }
0x1d: {  	s0 =	sshll.u32 s30, $0xC;
	_ =	strace $0x80000047;
	s31 =	sadd.s32 s2, s8;
	v4 =	vsel vm0, $0x3B00, v4;
	v1 =	vadd.s32 v0, v7;
	v2 =	vsel vm0, $0x1B00, v2  }
0x1e: {  	s12 =	sadd.s32 s7, s0;
	s8 =	sadd.s32 s2, s3;
	s9 =	sadd.s32 $0x20, s31;
	v6 =	vadd.s32 v3, v7;
	v5 =	vadd.s32 v2, v7;
	v7 =	vadd.s32 v4, v7  }
.LBB2_1:
0x1f: {  	s0 =	rddreg [dreg:$0x2]  }
0x20: {  	[tilespmem:s16], [sflag:$0x7] =	stream.strided.gather [hbm4b:s0+s14], $0x4000, s15, s14, $0x38;
	[tilespmem:$0x14200] =	vst v63  }
0x21: {  	_ =	swait.ge [sflag:s17], $0x4000  }
0x22: {  	[sflag:s17] =	ssyncset.done $0x0  }
0x23: {  	[sflag:s17] =	ssyncadd.s32 $0xFFFFC000  }
0x24: {  	[tilespmem:s5], [sflag:$0x1] =	stream.linear.gather [hbm4b:s8+s5], $0x100, $0x38;
	[tilespmem:$0x14200] =	vst v63  }
0x25: {  	s29 =	simm.s32 $0x0  }
0x26: {  	[tilespmem:s18], [sflag:$0x2] =	stream.linear.gather [hbm4b:s9+s5], $0x100, $0x38;
	[tilespmem:$0x14200] =	vst v63  }
.LBB2_2:
0x27: {  	p0 =	seq.s32 s29, $0x0  }
0x28: {  	s30 =	sshll.u32 s29, $0x1;
	s0 =	simm.s32 @!p0 $0x5  }
0x29: {  	s31 =	sadd.s32 s1, s30;
	_ =	swait.ge @!p0 [sflag:s0], $0x8000  }
0x2a: {  	s3 =	sshrl.u32 s31, $0x2;
	[sflag:s0] =	ssyncset.done @!p0 $0x0  }
0x2b: {  	v8 =	vmov s3;
	[sflag:s0] =	ssyncadd.s32 @!p0 $0xFFFF8000  }
0x2c: {  	v9 =	vshll.u32 v8, $0x3;
	_ =	swait.ge [sflag:s19], $0x100  }
0x2d: {  	v8 =	vand.u32 $0x7F, v8;
	v9 =	vand.u32 $0xFFFFFC00, v9;
	[sflag:s19] =	ssyncset.done $0x0  }
0x2e: {  	s4 =	sadd.s32 s30, s10;
	v8 =	vor.u32 v8, v9;
	[sflag:s19] =	ssyncadd.s32 $0xFFFFFF00  }
0x2f: {  	v9 =	vadd.s32 v0, v8;
	[tilespmem:s20], [sflag:$0x3] =	stream.indirect.gather [hbm4b:s6+s18], $0x80, s5, s18, $0xb8;
	[tilespmem:$0x14200] =	vst v63  }
0x30: {  	s0 =	sshll.u32 s4, $0x5;
	v10 =	vadd.s32 v2, v8;
	_ =	swait.ge [sflag:s21], $0x8000  }
0x31: {  	s0 =	sand.u32 $0x1FFFFFE0, s0;
	v11 =	vadd.s32 v3, v8;
	[sflag:s21] =	ssyncset.done $0x0  }
0x32: {  	s0 =	sadd.s32 s2, s0;
	v12 =	vadd.s32 v4, v8;
	[sflag:s21] =	ssyncadd.s32 $0xFFFF8000  }
0x33: {  	[tilespmem:s5], [sflag:$0x1] =	stream.linear.gather [hbm4b:s0+s5], $0x100, $0x38;
	[tilespmem:$0x14200] =	vst v63  }
0x34: {  	v8 =	vld.idx.msk [tilespmem:v9+s16+$0x0], $0xffff  }
0x35: {  	v10 =	vld.idx.msk [tilespmem:v10+s16+$0x0], $0xffff  }
0x36: {  	v9 =	vld.idx.msk [tilespmem:v11+s16+$0x0], $0xffff  }
0x37: {  	s3 =	simm.s32 $0x300;
	v11 =	vld.idx.msk [tilespmem:v12+s16+$0x0], $0xffff  }
0x38: {  	v12 =	vld [tilespmem:s3+$0xB0]  }
0x39: {  	v13 =	vld [tilespmem:s3+$0xFFFFFF10]  }
0x3a: {  	v14 =	vld [tilespmem:s3+$0xFFFFFF20]  }
0x3b: {  	v15 =	vld [tilespmem:s3+$0xFFFFFF30]  }
0x3c: {  	v16 =	vld [tilespmem:s3+$0xFFFFFF80]  }
0x3d: {  	v17 =	vld [tilespmem:s3+$0xFFFFFF90];
	v12 =	vadd.f32 v12, v11  }
0x3e: {  	v18 =	vld [tilespmem:s3+$0xFFFFFFA0];
	v13 =	vadd.f32 v13, v10  }
0x3f: {  	v19 =	vld [tilespmem:s3+$0xFFFFFFB0];
	v14 =	vadd.f32 v14, v9;
	[tilespmem:s3+$0xB0] =	vst v12  }
0x40: {  	[tilespmem:s3+$0xFFFFFF10] =	vst v13;
	v12 =	vadd.f32 v15, v11;
	v15 =	vld [tilespmem:s3+$0x0]  }
0x41: {  	[tilespmem:s3+$0xFFFFFF20] =	vst v14;
	v13 =	vadd.f32 v16, v8;
	v16 =	vld [tilespmem:s3+$0x10]  }
0x42: {  	v20 =	vld [tilespmem:s3+$0x20];
	v14 =	vadd.f32 v17, v10;
	[tilespmem:s3+$0xFFFFFF30] =	vst v12  }
0x43: {  	v17 =	vadd.f32 v18, v9;
	[tilespmem:s3+$0xFFFFFF80] =	vst v13;
	v12 =	vld [tilespmem:s3+$0x30]  }
0x44: {  	v18 =	vadd.f32 v19, v11;
	[tilespmem:s3+$0xFFFFFF90] =	vst v14;
	v13 =	vld [tilespmem:s3+$0x80]  }
0x45: {  	[tilespmem:s3+$0xFFFFFFA0] =	vst v17;
	v14 =	vld [tilespmem:s3+$0x90];
	v19 =	vadd.f32 v15, v8  }
0x46: {  	[tilespmem:s3+$0xFFFFFFB0] =	vst v18;
	v15 =	vld [tilespmem:s3+$0xA0];
	v17 =	vadd.f32 v16, v10  }
0x47: {  	s4 =	simm.s32 $0x500;
	s0 =	simm.s32 $0x0;
	v18 =	vadd.f32 v20, v9;
	v16 =	vld [tilespmem:s3+$0xFFFFFF00];
	[tilespmem:s3+$0x0] =	vst v19  }
.LBB2_3:
0x48: {  	v19 =	vld [tilespmem:s4+$0xB0];
	s0 =	sadd.s32 $0x4, s0;
	[tilespmem:s3+$0x10] =	vst v17;
	v12 =	vadd.f32 v12, v11  }
0x49: {  	v17 =	vld [tilespmem:s4+$0xFFFFFF10];
	p1 =	slt.u32 s0, $0xFC;
	[tilespmem:s3+$0x20] =	vst v18;
	v13 =	vadd.f32 v13, v8  }
0x4a: {  	v18 =	vld [tilespmem:s4+$0xFFFFFF20];
	[tilespmem:s3+$0x30] =	vst v12;
	v12 =	vadd.f32 v14, v10  }
0x4b: {  	v14 =	vld [tilespmem:s4+$0xFFFFFF30];
	[tilespmem:s3+$0x80] =	vst v13;
	v13 =	vadd.f32 v15, v9  }
0x4c: {  	v15 =	vld [tilespmem:s4+$0xFFFFFF80];
	v16 =	vadd.f32 v16, v8;
	[tilespmem:s3+$0x90] =	vst v12  }
0x4d: {  	v12 =	vld [tilespmem:s4+$0xFFFFFF90];
	v19 =	vadd.f32 v19, v11;
	[tilespmem:s3+$0xA0] =	vst v13  }
0x4e: {  	v13 =	vadd.f32 v17, v10;
	v17 =	vld [tilespmem:s4+$0xFFFFFFA0];
	[tilespmem:s3+$0xFFFFFF00] =	vst v16;
	s3 =	smov.u32 s4  }
0x4f: {  	v16 =	vadd.f32 v18, v9;
	v18 =	vld [tilespmem:s4+$0xFFFFFFB0];
	[tilespmem:s4+$0xB0] =	vst v19  }
0x50: {  	[tilespmem:s4+$0xFFFFFF10] =	vst v13;
	v13 =	vadd.f32 v14, v11;
	v14 =	vld [tilespmem:s4+$0x0]  }
0x51: {  	[tilespmem:s4+$0xFFFFFF20] =	vst v16;
	v15 =	vadd.f32 v15, v8;
	v16 =	vld [tilespmem:s4+$0x10]  }
0x52: {  	[tilespmem:s4+$0xFFFFFF30] =	vst v13;
	v13 =	vadd.f32 v12, v10;
	v19 =	vld [tilespmem:s4+$0x20]  }
.Ltmp0:
0x53: {  	[tilespmem:s4+$0xFFFFFF80] =	vst v15;
	v15 =	vadd.f32 v17, v9;
	v12 =	vld [tilespmem:s4+$0x30];
	(pc) =	sbr.rel @p1 .LBB2_3-.Ltmp0, $4  }
0x54: {  	[tilespmem:s4+$0xFFFFFF90] =	vst v13;
	v17 =	vadd.f32 v18, v11;
	v13 =	vld [tilespmem:s4+$0x80]  }
0x55: {  	[tilespmem:s4+$0xFFFFFFA0] =	vst v15;
	v18 =	vadd.f32 v14, v8;
	v14 =	vld [tilespmem:s4+$0x90]  }
0x56: {  	[tilespmem:s4+$0xFFFFFFB0] =	vst v17;
	v17 =	vadd.f32 v16, v10;
	v15 =	vld [tilespmem:s4+$0xA0]  }
0x57: {  	s4 =	sadd.s32 $0x200, s4;
	v16 =	vld [tilespmem:s3+$0xFFFFFF00];
	[tilespmem:s3+$0x0] =	vst v18;
	v18 =	vadd.f32 v19, v9  }
0x58: {  	[tilespmem:s3+$0x10] =	vst v17;
	v11 =	vadd.f32 v12, v11  }
0x59: {  	[tilespmem:s3+$0x20] =	vst v18;
	v12 =	vadd.f32 v13, v8  }
0x5a: {  	[tilespmem:s3+$0x30] =	vst v11;
	v10 =	vadd.f32 v14, v10  }
0x5b: {  	[tilespmem:s3+$0x80] =	vst v12;
	v9 =	vadd.f32 v15, v9  }
0x5c: {  	v8 =	vadd.f32 v16, v8;
	[tilespmem:s3+$0x90] =	vst v10  }
0x5d: {  	s0 =	sshll.u32 s31, $0xC;
	[tilespmem:s3+$0xA0] =	vst v9  }
0x5e: {  	s0 =	sadd.s32 s7, s0;
	[tilespmem:s3+$0xFFFFFF00] =	vst v8  }
0x5f: {  	[hbm4b:s0+s5] =	stream.linear.scatter [tilespmem:s20], [sflag:$0x5], $0x8000, $0x38;
	[tilespmem:$0x14200] =	vst v63  }
0x60: {  	s4 =	sor.u32 $0x1, s30;
	s0 =	simm.s32 @!p0 $0x6  }
0x61: {  	s31 =	sadd.s32 s1, s4;
	_ =	swait.ge @!p0 [sflag:s0], $0x8000  }
0x62: {  	s4 =	sshrl.u32 s31, $0x2;
	[sflag:s0] =	ssyncset.done @!p0 $0x0  }
0x63: {  	v8 =	vmov s4;
	[sflag:s0] =	ssyncadd.s32 @!p0 $0xFFFF8000  }
0x64: {  	v9 =	vshll.u32 v8, $0x3;
	_ =	swait.ge [sflag:s22], $0x100  }
0x65: {  	v8 =	vand.u32 $0x7F, v8;
	v9 =	vand.u32 $0xFFFFFC00, v9;
	p0 =	seq.s32 s29, $0xB;
	[sflag:s22] =	ssyncset.done $0x0  }
0x66: {  	v8 =	vor.u32 v8, v9;
	s0 =	sadd.s32 @!p0 s30, s11;
	[sflag:s22] =	ssyncadd.s32 $0xFFFFFF00  }
0x67: {  	v9 =	vadd.s32 v0, v8;
	[tilespmem:s23], [sflag:$0x4] =	stream.indirect.gather [hbm4b:s6+s18], $0x80, s18, s18, $0xb8;
	[tilespmem:$0x14200] =	vst v63  }
0x68: {  	v10 =	vadd.s32 v2, v8;
	s0 =	sshll.u32 @!p0 s0, $0x5;
	_ =	swait.ge [sflag:s24], $0x8000  }
0x69: {  	v11 =	vadd.s32 v3, v8;
	s3 =	simm.s32 @!p0 $0x0;
	s0 =	sand.u32 @!p0 $0x1FFFFFE0, s0;
	[sflag:s24] =	ssyncset.done $0x0  }
0x6a: {  	v12 =	vadd.s32 v4, v8;
	s4 =	simm.s32 @!p0 $0x100;
	s0 =	sadd.s32 @!p0 s2, s0;
	[sflag:s24] =	ssyncadd.s32 $0xFFFF8000  }
0x6b: {  	[tilespmem:s4], [sflag:$0x2] =	stream.linear.gather @!p0 [hbm4b:s0+s3], $0x100, $0x38;
	[tilespmem:$0x14200] =	vst v63  }
0x6c: {  	v8 =	vld.idx.msk [tilespmem:v9+s16+$0x0], $0xffff  }
0x6d: {  	v10 =	vld.idx.msk [tilespmem:v10+s16+$0x0], $0xffff  }
0x6e: {  	v9 =	vld.idx.msk [tilespmem:v11+s16+$0x0], $0xffff  }
0x6f: {  	s30 =	simm.s32 $0x8300;
	v11 =	vld.idx.msk [tilespmem:v12+s16+$0x0], $0xffff  }
0x70: {  	v12 =	vld [tilespmem:s30+$0xB0]  }
0x71: {  	v13 =	vld [tilespmem:s30+$0xFFFFFF10]  }
0x72: {  	v14 =	vld [tilespmem:s30+$0xFFFFFF20]  }
0x73: {  	v15 =	vld [tilespmem:s30+$0xFFFFFF30]  }
0x74: {  	v16 =	vld [tilespmem:s30+$0xFFFFFF80]  }
0x75: {  	v17 =	vld [tilespmem:s30+$0xFFFFFF90];
	v12 =	vadd.f32 v12, v11  }
0x76: {  	v18 =	vld [tilespmem:s30+$0xFFFFFFA0];
	v13 =	vadd.f32 v13, v10  }
0x77: {  	v19 =	vld [tilespmem:s30+$0xFFFFFFB0];
	v14 =	vadd.f32 v14, v9;
	[tilespmem:s30+$0xB0] =	vst v12  }
0x78: {  	[tilespmem:s30+$0xFFFFFF10] =	vst v13;
	v12 =	vadd.f32 v15, v11;
	v15 =	vld [tilespmem:s30+$0x0]  }
0x79: {  	[tilespmem:s30+$0xFFFFFF20] =	vst v14;
	v13 =	vadd.f32 v16, v8;
	v16 =	vld [tilespmem:s30+$0x10]  }
0x7a: {  	v20 =	vld [tilespmem:s30+$0x20];
	v14 =	vadd.f32 v17, v10;
	[tilespmem:s30+$0xFFFFFF30] =	vst v12  }
0x7b: {  	v17 =	vadd.f32 v18, v9;
	[tilespmem:s30+$0xFFFFFF80] =	vst v13;
	v12 =	vld [tilespmem:s30+$0x30]  }
0x7c: {  	v18 =	vadd.f32 v19, v11;
	[tilespmem:s30+$0xFFFFFF90] =	vst v14;
	v13 =	vld [tilespmem:s30+$0x80]  }
0x7d: {  	[tilespmem:s30+$0xFFFFFFA0] =	vst v17;
	v14 =	vld [tilespmem:s30+$0x90];
	v19 =	vadd.f32 v15, v8  }
0x7e: {  	[tilespmem:s30+$0xFFFFFFB0] =	vst v18;
	v15 =	vld [tilespmem:s30+$0xA0];
	v17 =	vadd.f32 v16, v10  }
0x7f: {  	s0 =	simm.s32 $0x0;
	s3 =	simm.s32 $0x8500;
	v18 =	vadd.f32 v20, v9;
	v16 =	vld [tilespmem:s30+$0xFFFFFF00];
	[tilespmem:s30+$0x0] =	vst v19  }
.LBB2_5:
0x80: {  	v19 =	vld [tilespmem:s3+$0xB0];
	s0 =	sadd.s32 $0x4, s0;
	[tilespmem:s30+$0x10] =	vst v17;
	v12 =	vadd.f32 v12, v11  }
0x81: {  	v17 =	vld [tilespmem:s3+$0xFFFFFF10];
	p0 =	slt.u32 s0, $0xFC;
	[tilespmem:s30+$0x20] =	vst v18;
	v13 =	vadd.f32 v13, v8  }
0x82: {  	v18 =	vld [tilespmem:s3+$0xFFFFFF20];
	[tilespmem:s30+$0x30] =	vst v12;
	v12 =	vadd.f32 v14, v10  }
0x83: {  	v14 =	vld [tilespmem:s3+$0xFFFFFF30];
	[tilespmem:s30+$0x80] =	vst v13;
	v13 =	vadd.f32 v15, v9  }
0x84: {  	v15 =	vld [tilespmem:s3+$0xFFFFFF80];
	v16 =	vadd.f32 v16, v8;
	[tilespmem:s30+$0x90] =	vst v12  }
0x85: {  	v12 =	vld [tilespmem:s3+$0xFFFFFF90];
	v19 =	vadd.f32 v19, v11;
	[tilespmem:s30+$0xA0] =	vst v13  }
0x86: {  	v13 =	vadd.f32 v17, v10;
	v17 =	vld [tilespmem:s3+$0xFFFFFFA0];
	[tilespmem:s30+$0xFFFFFF00] =	vst v16;
	s30 =	smov.u32 s3  }
0x87: {  	v16 =	vadd.f32 v18, v9;
	v18 =	vld [tilespmem:s3+$0xFFFFFFB0];
	[tilespmem:s3+$0xB0] =	vst v19  }
0x88: {  	[tilespmem:s3+$0xFFFFFF10] =	vst v13;
	v13 =	vadd.f32 v14, v11;
	v14 =	vld [tilespmem:s3+$0x0]  }
0x89: {  	[tilespmem:s3+$0xFFFFFF20] =	vst v16;
	v15 =	vadd.f32 v15, v8;
	v16 =	vld [tilespmem:s3+$0x10]  }
0x8a: {  	[tilespmem:s3+$0xFFFFFF30] =	vst v13;
	v13 =	vadd.f32 v12, v10;
	v19 =	vld [tilespmem:s3+$0x20]  }
.Ltmp1:
0x8b: {  	[tilespmem:s3+$0xFFFFFF80] =	vst v15;
	v15 =	vadd.f32 v17, v9;
	v12 =	vld [tilespmem:s3+$0x30];
	(pc) =	sbr.rel @p0 .LBB2_5-.Ltmp1, $4  }
0x8c: {  	[tilespmem:s3+$0xFFFFFF90] =	vst v13;
	v17 =	vadd.f32 v18, v11;
	v13 =	vld [tilespmem:s3+$0x80]  }
0x8d: {  	[tilespmem:s3+$0xFFFFFFA0] =	vst v15;
	v18 =	vadd.f32 v14, v8;
	v14 =	vld [tilespmem:s3+$0x90]  }
0x8e: {  	[tilespmem:s3+$0xFFFFFFB0] =	vst v17;
	v17 =	vadd.f32 v16, v10;
	v15 =	vld [tilespmem:s3+$0xA0]  }
0x8f: {  	s3 =	sadd.s32 $0x200, s3;
	v16 =	vld [tilespmem:s30+$0xFFFFFF00];
	[tilespmem:s30+$0x0] =	vst v18;
	v18 =	vadd.f32 v19, v9  }
0x90: {  	[tilespmem:s30+$0x10] =	vst v17;
	v11 =	vadd.f32 v12, v11  }
0x91: {  	s29 =	sadd.s32 $0x1, s29;
	[tilespmem:s30+$0x20] =	vst v18;
	v63 =	vadd.f32 v13, v8  }
0x92: {  	p0 =	sne.s32 s29, $0xC;
	[tilespmem:s30+$0x30] =	vst v11;
	v10 =	vadd.f32 v14, v10  }
.Ltmp2:
0x93: {  	[tilespmem:s30+$0x80] =	vst v63;
	v9 =	vadd.f32 v15, v9;
	(pc) =	sbr.rel @p0 .LBB2_2-.Ltmp2, $4  }
0x94: {  	s0 =	sshll.u32 s31, $0xC;
	v8 =	vadd.f32 v16, v8;
	[tilespmem:s30+$0x90] =	vst v10  }
0x95: {  	s0 =	sand.u32 $0x1FFFF000, s0;
	[tilespmem:s30+$0xA0] =	vst v9  }
0x96: {  	s0 =	sadd.s32 s7, s0;
	[tilespmem:s30+$0xFFFFFF00] =	vst v8  }
0x97: {  	[hbm4b:s0+s5] =	stream.linear.scatter [tilespmem:s23], [sflag:$0x6], $0x8000, $0x38;
	[tilespmem:$0x14200] =	vst v63  }
0x98: {  	_ =	swait.ge [sflag:s25], $0x8000  }
0x99: {  	[sflag:s25] =	ssyncset.done $0x0  }
0x9a: {  	[sflag:s25] =	ssyncadd.s32 $0xFFFF8000  }
0x9b: {  	_ =	swait.ge [sflag:s19], $0x100  }
0x9c: {  	[sflag:s19] =	ssyncset.done $0x0  }
0x9d: {  	[sflag:s19] =	ssyncadd.s32 $0xFFFFFF00  }
0x9e: {  	[tilespmem:s20], [sflag:$0x3] =	stream.indirect.gather [hbm4b:s6+s18], $0x80, s5, s18, $0xb8;
	[tilespmem:$0x14200] =	vst v63  }
0x9f: {  	_ =	swait.ge [sflag:s21], $0x8000  }
0xa0: {  	[sflag:s21] =	ssyncset.done $0x0  }
0xa1: {  	[sflag:s21] =	ssyncadd.s32 $0xFFFF8000  }
0xa2: {  	v8 =	vld.idx.msk [tilespmem:v1+s16+$0x0], $0xffff  }
0xa3: {  	v10 =	vld.idx.msk [tilespmem:v5+s16+$0x0], $0xffff  }
0xa4: {  	v9 =	vld.idx.msk [tilespmem:v6+s16+$0x0], $0xffff  }
0xa5: {  	s3 =	simm.s32 $0x300;
	v11 =	vld.idx.msk [tilespmem:v7+s16+$0x0], $0xffff  }
0xa6: {  	v12 =	vld [tilespmem:s3+$0xB0]  }
0xa7: {  	v13 =	vld [tilespmem:s3+$0xFFFFFF10]  }
0xa8: {  	v14 =	vld [tilespmem:s3+$0xFFFFFF20]  }
0xa9: {  	v15 =	vld [tilespmem:s3+$0xFFFFFF30]  }
0xaa: {  	v16 =	vld [tilespmem:s3+$0xFFFFFF80]  }
0xab: {  	v17 =	vld [tilespmem:s3+$0xFFFFFF90];
	v12 =	vadd.f32 v12, v11  }
0xac: {  	v18 =	vld [tilespmem:s3+$0xFFFFFFA0];
	v13 =	vadd.f32 v13, v10  }
0xad: {  	v19 =	vld [tilespmem:s3+$0xFFFFFFB0];
	v14 =	vadd.f32 v14, v9;
	[tilespmem:s3+$0xB0] =	vst v12  }
0xae: {  	[tilespmem:s3+$0xFFFFFF10] =	vst v13;
	v12 =	vadd.f32 v15, v11;
	v15 =	vld [tilespmem:s3+$0x0]  }
0xaf: {  	[tilespmem:s3+$0xFFFFFF20] =	vst v14;
	v13 =	vadd.f32 v16, v8;
	v16 =	vld [tilespmem:s3+$0x10]  }
0xb0: {  	v20 =	vld [tilespmem:s3+$0x20];
	v14 =	vadd.f32 v17, v10;
	[tilespmem:s3+$0xFFFFFF30] =	vst v12  }
0xb1: {  	v17 =	vadd.f32 v18, v9;
	[tilespmem:s3+$0xFFFFFF80] =	vst v13;
	v12 =	vld [tilespmem:s3+$0x30]  }
0xb2: {  	v18 =	vadd.f32 v19, v11;
	[tilespmem:s3+$0xFFFFFF90] =	vst v14;
	v13 =	vld [tilespmem:s3+$0x80]  }
0xb3: {  	[tilespmem:s3+$0xFFFFFFA0] =	vst v17;
	v14 =	vld [tilespmem:s3+$0x90];
	v19 =	vadd.f32 v15, v8  }
0xb4: {  	[tilespmem:s3+$0xFFFFFFB0] =	vst v18;
	v15 =	vld [tilespmem:s3+$0xA0];
	v17 =	vadd.f32 v16, v10  }
0xb5: {  	s0 =	simm.s32 $0x0;
	s4 =	simm.s32 $0x500;
	v18 =	vadd.f32 v20, v9;
	v16 =	vld [tilespmem:s3+$0xFFFFFF00];
	[tilespmem:s3+$0x0] =	vst v19  }
.LBB2_8:
0xb6: {  	v19 =	vld [tilespmem:s4+$0xB0];
	s0 =	sadd.s32 $0x4, s0;
	[tilespmem:s3+$0x10] =	vst v17;
	v12 =	vadd.f32 v12, v11  }
0xb7: {  	v17 =	vld [tilespmem:s4+$0xFFFFFF10];
	p0 =	slt.u32 s0, $0xFC;
	[tilespmem:s3+$0x20] =	vst v18;
	v13 =	vadd.f32 v13, v8  }
0xb8: {  	v18 =	vld [tilespmem:s4+$0xFFFFFF20];
	[tilespmem:s3+$0x30] =	vst v12;
	v12 =	vadd.f32 v14, v10  }
0xb9: {  	v14 =	vld [tilespmem:s4+$0xFFFFFF30];
	[tilespmem:s3+$0x80] =	vst v13;
	v13 =	vadd.f32 v15, v9  }
0xba: {  	v15 =	vld [tilespmem:s4+$0xFFFFFF80];
	v16 =	vadd.f32 v16, v8;
	[tilespmem:s3+$0x90] =	vst v12  }
0xbb: {  	v12 =	vld [tilespmem:s4+$0xFFFFFF90];
	v19 =	vadd.f32 v19, v11;
	[tilespmem:s3+$0xA0] =	vst v13  }
0xbc: {  	v13 =	vadd.f32 v17, v10;
	v17 =	vld [tilespmem:s4+$0xFFFFFFA0];
	[tilespmem:s3+$0xFFFFFF00] =	vst v16;
	s3 =	smov.u32 s4  }
0xbd: {  	v16 =	vadd.f32 v18, v9;
	v18 =	vld [tilespmem:s4+$0xFFFFFFB0];
	[tilespmem:s4+$0xB0] =	vst v19  }
0xbe: {  	[tilespmem:s4+$0xFFFFFF10] =	vst v13;
	v13 =	vadd.f32 v14, v11;
	v14 =	vld [tilespmem:s4+$0x0]  }
0xbf: {  	[tilespmem:s4+$0xFFFFFF20] =	vst v16;
	v15 =	vadd.f32 v15, v8;
	v16 =	vld [tilespmem:s4+$0x10]  }
0xc0: {  	[tilespmem:s4+$0xFFFFFF30] =	vst v13;
	v13 =	vadd.f32 v12, v10;
	v19 =	vld [tilespmem:s4+$0x20]  }
.Ltmp3:
0xc1: {  	[tilespmem:s4+$0xFFFFFF80] =	vst v15;
	v15 =	vadd.f32 v17, v9;
	v12 =	vld [tilespmem:s4+$0x30];
	(pc) =	sbr.rel @p0 .LBB2_8-.Ltmp3, $4  }
0xc2: {  	[tilespmem:s4+$0xFFFFFF90] =	vst v13;
	v17 =	vadd.f32 v18, v11;
	v13 =	vld [tilespmem:s4+$0x80]  }
0xc3: {  	[tilespmem:s4+$0xFFFFFFA0] =	vst v15;
	v18 =	vadd.f32 v14, v8;
	v14 =	vld [tilespmem:s4+$0x90]  }
0xc4: {  	[tilespmem:s4+$0xFFFFFFB0] =	vst v17;
	v17 =	vadd.f32 v16, v10;
	v15 =	vld [tilespmem:s4+$0xA0]  }
0xc5: {  	s4 =	sadd.s32 $0x200, s4;
	v16 =	vld [tilespmem:s3+$0xFFFFFF00];
	[tilespmem:s3+$0x0] =	vst v18;
	v18 =	vadd.f32 v19, v9  }
0xc6: {  	[tilespmem:s3+$0x10] =	vst v17;
	v11 =	vadd.f32 v12, v11  }
0xc7: {  	[tilespmem:s3+$0x20] =	vst v18;
	v63 =	vadd.f32 v13, v8  }
0xc8: {  	[tilespmem:s3+$0x30] =	vst v11;
	v10 =	vadd.f32 v14, v10  }
0xc9: {  	[tilespmem:s3+$0x80] =	vst v63;
	v9 =	vadd.f32 v15, v9  }
0xca: {  	v8 =	vadd.f32 v16, v8;
	[tilespmem:s3+$0x90] =	vst v10  }
0xcb: {  	[tilespmem:s3+$0xA0] =	vst v9  }
0xcc: {  	s28 =	sadd.s32 $0x1, s28;
	[tilespmem:s3+$0xFFFFFF00] =	vst v8  }
0xcd: {  	[hbm4b:s12+s5] =	stream.linear.scatter [tilespmem:s20], [sflag:$0x5], $0x8000, $0x38;
	[tilespmem:$0x14200] =	vst v63  }
0xce: {  	p0 =	sne.s32 s28, s13;
	_ =	swait.ge [sflag:s25], $0x8000  }
.Ltmp4:
0xcf: {  	[sflag:s25] =	ssyncset.done $0x0;
	(pc) =	sbr.rel @p0 .LBB2_1-.Ltmp4, $4  }
0xd0: {  	[sflag:s25] =	ssyncadd.s32 $0xFFFF8000  }
0xd1: {  	_ =	swait.ge [sflag:s26], $0x8000  }
0xd2: {  	[sflag:s26] =	ssyncset.done $0x0  }
0xd3: {  	[sflag:s26] =	ssyncadd.s32 $0xFFFF8000  }
0xd4: {  	_ =	sfence.sel $0x180000  }
0xd5: {  	[bflag:$0x0] =	sbarrier.arrive $0xFFFF  }
0xd6: {  	_ =	strace $0x90000047  }
0xd7: {  	s0 =	stileid.u32;
	[bflag:$0x2] =	sbarrier.arrive $0xFFFF  }
0xd8: {  	p0 =	sne.s32 s0, $0x0;
	s0 =	rddreg [dreg:$0x3]  }
0xd9: {  	s0 =	sadd.s32 @!p0 $0x100000, s0  }
0xda: {  	[sflag:s0] =	ssyncadd.tile.s32 @!p0 $0x1;
	_ =	shalt  }
.Lfunc_end2:
_tile_overlayer_lowered:
.L_overlay_start_2:
0xdb: {  	(tag) =	ssettag $0x2  }
0xdc: {  	s0 =	rddreg [dreg:$0x0];
	s2 =	stileid.u32  }
0xdd: {  	s1 =	rddreg [dreg:$0x1];
	p0 =	sne.s32 s2, $0x0  }
0xde: {  	s3 =	rddreg [dreg:$0x2];
	[bflag:$0x3] =	sbarrier.arrive $0xFFFF;
	s2 =	simm.s32 @!p0 $0x1C07  }
0xdf: {  	[timem:s3], [sflag:s2] =	dma.local @!p0 [hbm:s0], s1  }
0xe0: {  	s0 =	simm.s32 @!p0 $0x7  }
0xe1: {  	_ =	swait.ge @!p0 [sflag:s0], s1  }
0xe2: {  	s1 =	ssub.s32 @!p0 $0x0, s1;
	[sflag:s0] =	ssyncset.done @!p0 $0x0  }
0xe3: {  	[sflag:s0] =	ssyncadd.s32 @!p0 s1  }
0xe4: {  	[bflag:$0x3] =	sbarrier.arrive $0xFFFF  }
0xe5: {  	_ =	shalt  }

// kernel: sparse-core-data-format-call.cloned.1.call-start
scs
called_computation_lowered:
.L_overlay_start_0:
0x0: {  	s2 =	sld [smem:$0x3FD9]  }
0x1: {  	s3 =	sld [smem:$0x3FFE];
	_ =	sdelay $0x1  }
0x2: {  	s1 =	srdreg.scid  }
0x3: {  	s0 =	sand.u32 $0x1, s1  }
0x4: {  	s18 =	sshll.u32 s0, $0xA;
	s2 =	sadd.s32 s3, s2  }
0x5: {  	s2 =	sadd.s32 s2, s18  }
0x6: {  	[smem:$0x3FC5] =	sst s2  }
0x7: {  	_ = 	snop  }
0x8: {  	s2 =	sld [smem:$0x3FD0];
	(tm) =	ssettm $0x1  }
0x9: {  	s19 =	sld [smem:$0x3FFB];
	_ =	sdelay $0x3  }
0xa: {  	_ =	strace s19  }
0xb: {  	s3 =	sld [smem:$0x3FFC];
	_ =	sdelay $0x3  }
0xc: {  	_ =	strace s3  }
0xd: {  	s3 =	sld [smem:$0x3FFD];
	_ =	sdelay $0x3  }
0xe: {  	_ =	strace s3  }
0xf: {  	_ =	strace $0x8FFFFFFF  }
0x10: {  	s20 =	sld [smem:$0x3FDB];
	_ =	sdelay $0x1  }
0x11: {  	s4 =	simm.s32 $_scs_section_size  }
0x12: {  	s5 =	simm.s32 $_size__tile_overlayer_lowered;
	s6 =	simm.s32 $_tile_overlayer_lowered  }
0x13: {  	s23 =	simm.s32 $0x1BFF;
	s22 =	sshll.u32 s6, $0x1;
	s3 =	sadd.s32 s4, s20  }
0x14: {  	s7 =	simm.s32 $0x0;
	s21 =	sshll.u32 s5, $0x1;
	s5 =	sadd.s32 s22, s3  }
0x15: {  	[timem:s7], [sflag:s23] =	dma.local [hbm:s5], s21  }
0x16: {  	_ =	swait.ge [sflag:s23], s21  }
0x17: {  	s4 =	ssub.s32 $0x0, s21;
	[sflag:s23] =	ssyncset.done $0x0  }
0x18: {  	[sflag:s23] =	ssyncadd.s32 s4;
	_ =	sdelay $0x1  }
0x19: {  	s24 =	simm.s32 $0x1B8B  }
0x1a: {  	_ =	swait.ge [sflag:s24], $0x1  }
0x1b: {  	[sflag:s24] =	ssyncset.done $0x0  }
0x1c: {  	s26 =	simm.s32 $0x1B8E;
	s25 =	sld [smem:$0x3FFE];
	[sflag:s24] =	ssyncadd.s32 $0xFFFFFFFF  }
0x1d: {  	s27 =	simm.s32 $execute0_lowered;
	[smem:$0x3FD2] =	sst s26  }
0x1e: {  	s5 =	sshll.u32 s27, $0x1;
	_ =	strace $0x80000049;
	[dreg:$0x1] =	wrdreg $0xFFFFFFFF  }
0x1f: {  	s28 =	simm.s32 $_size_execute0_lowered;
	s3 =	sadd.s32 s3, s5;
	[dreg:$0x0] =	wrdreg $0x0  }
0x20: {  	s5 =	sshll.u32 s28, $0x1;
	[dreg:$0x2] =	wrdreg s3  }
0x21: {  	[dreg:$0x3] =	wrdreg s5  }
0x22: {  	[dreg:$0x4] =	wrdreg $0xC0  }
0x23: {  	_ =	task [dreg:s7], $0x5FFFF  }
0x24: {  	[dreg:$0x1] =	wrdreg $0xFFFFFFFF  }
0x25: {  	[dreg:$0x0] =	wrdreg $0x60  }
0x26: {  	[dreg:$0x2] =	wrdreg s25  }
0x27: {  	[dreg:$0x3] =	wrdreg s2  }
0x28: {  	[dreg:$0x4] =	wrdreg $0x9  }
0x29: {  	_ =	task.clear_ibuf [dreg:s7], $0x5FFFF;
	_ =	strace $0x90000049  }
0x2a: {  	s29 =	simm.s32 $0x9;
	_ =	strace $0x8000004B  }
0x2b: {  	_ =	swait.ge [sflag:s29], $0x1  }
0x2c: {  	[sflag:s29] =	ssyncadd.s32 $0xFFFFFFFF  }
0x2d: {  	_ =	strace $0x9000004B  }
0x2e: {  	_ =	sfence  }
0x2f: {  	s30 =	sld [smem:$0x0];
	_ =	sdelay $0x2  }
0x30: {  	s31 =	sshll.u32 s1, $0xD;
	s1 =	sshrl.u32 s1, $0x2  }
0x31: {  	s3 =	sand.u32 $0x4000, s31;
	s1 =	sadd.s32 s1, s30  }
0x32: {  	s0 =	sor.u32 s3, s0;
	s1 =	sshll.u32 s1, $0x11  }
0x33: {  	s0 =	sor.u32 s1, s0  }
0x34: {  	s0 =	sadd.s32 $0x8F2B, s0  }
0x35: {  	[sflag:s0] =	ssyncadd.remote.s32 $0x1  }
0x36: {  	_ =	sfence.sel $0xFFFF  }
0x37: {  	[dreg:$0x0] =	wrdreg $0xFFFFFFFF;
	(pc) =	sbr.abs _section_cstart, $3  }
0x38: {  	[dreg:$0x1] =	wrdreg $0xFFFFFFFF  }
0x39: {  	_ =	task.clear_ibuf [dreg:s7], $0x2FFFF;
	_ =	strace $0x9FFFFFFF  }
0x3a: {  	(tm) =	ssettm $0x7FFFFFFF  }
0x3b: {  	_ =	shalt  }
tec
execute0_lowered:
.L_overlay_start_1:
0x0: {  	(tag) =	ssettag $0x1  }
0x1: {  	s7 =	rddreg [dreg:$0x0]  }
0x2: {  	s2 =	rddreg [dreg:$0x1]  }
0x3: {  	s0 =	stileid.u32;
	s1 =	srdreg.scid;
	s31 =	simm.s32 $0x2  }
0x4: {  	s14 =	simm.s32 $0x0;
	s15 =	simm.s32 $0x0;
	s13 =	simm.s32 $0x0  }
0x5: {  	s3 =	sshll.u32 s0, $0x5;
	s4 =	sshll.u32 s1, $0x9;
	s5 =	sshll.u32 s0, $0x1  }
0x6: {  	s1 =	rddreg [dreg:$0x2];
	s4 =	sor.u32 s3, s4;
	s3 =	sand.u32 $0x6, s5  }
0x7: {  	_ =	strace $0x8000004A;
	s4 =	sand.u32 $0x380, s4;
	s5 =	ssub.s32 $0xC8, s3  }
0x8: {  	s12 =	smov.u32 s3;
	s8 =	sshll.u32 s4, $0x4;
	s6 =	sand.u32 $0x6, s5  }
0x9: {  	s9 =	ssub.s32 $0x400, s4;
	s11 =	sshrl.u32 s5, $0x3;
	s5 =	simm.s32 $0x1  }
0xa: {  	p0 =	sne.s32 s6, $0x0;
	s6 =	simm.s32 $0x1;
	s10 =	sand.u32 $0x380, s9  }
0xb: {  	s6 =	simm.s32 @!p0 $0x0;
	p0 =	sne.s32 s10, $0x0;
	s10 =	simm.s32 $0x1  }
.Ltmp0:
0xc: {  	s9 =	sshrl.u32 s9, $0xA;
	s10 =	simm.s32 @!p0 $0x0;
	(pc) =	sbr.rel .LBB1_1-.Ltmp0, $4  }
0xd: {  	[sflag:s5] =	ssyncpa.u1 $0x0;
	s6 =	sadd.s32 s6, s11;
	s9 =	sadd.s32 s10, s9  }
0xe: {  	s8 =	sadd.s32 s8, s7;
	[sflag:s31] =	ssyncpa.u1 $0x0;
	s6 =	smul.u32 s6, s9  }
0xf: {  	s7 =	sadd.s32 $0xA00, s8;
	s8 =	sadd.s32 $0x4A00, s8;
	p0 =	por $0x0, $0x0  }
0x10: {  	s11 =	simm.s32 $0x2000;
	s10 =	simm.s32 $0x400;
	s9 =	sadd.s32 $0x1, s6  }
.LBB1_7:
0x11: {  	s16 =	sadd.s32 $0x8, s12  }
0x12: {  	p2 =	sgt.s32 s16, $0xC7  }
0x13: {  	s16 =	smov.u32 @p2 s3;
	p2 =	sne.s32 s13, s9  }
.Ltmp1:
0x14: {  	p1 =	slt.u32 s13, $0x2;
	(pc) =	sbr.rel @!p2 .LBB1_8-.Ltmp1, $4  }
0x15: {  	s14 =	simm.s32 @!p1 $0x2  }
0x16: {  	s17 =	sadd.s32 $0x1, s13;
	s15 =	smov.u32 s12;
	_ =	swait.ge @!p1 [sflag:s14], $0x4000  }
0x17: {  	p0 =	por !p0, !p0;
	s13 =	smov.u32 s17;
	[sflag:s14] =	ssyncset.done @!p1 $0x0  }
0x18: {  	s12 =	smov.u32 s16;
	[sflag:s14] =	ssyncadd.s32 @!p1 $0xFFFFC000;
	s14 =	smov.u32 s4  }
.LBB1_1:
0x19: {  	p1 =	sge.u32 s13, s6  }
0x1a: {  	s16 =	sxor.u32 @!p1 $0xFFFFFFFF, s13  }
0x1b: {  	s17 =	sshll.u32 @!p1 s12, $0xE;
	s19 =	simm.s32 @!p1 $0x40;
	s16 =	sshll.u32 @!p1 s16, $0xE  }
0x1c: {  	s20 =	simm.s32 @!p1 $0x80;
	s18 =	sadd.s32 @!p1 s17, s7;
	s16 =	sand.u32 @!p1 $0x4000, s16  }
0x1d: {  	[tilespmem:s16], [sflag:$0x1] =	stream.strided.gather @!p1 [hbm4b:s18+s19], $0x2000, s20, s19, $0x38;
	[tilespmem:$0x10100] =	vst v63  }
0x1e: {  	s31 =	sadd.s32 $0xFFFFFFFF, s13;
	s17 =	sadd.s32 @!p1 s17, s8;
	s16 =	sor.u32 @!p1 $0x2000, s16  }
0x1f: {  	[tilespmem:s16], [sflag:$0x1] =	stream.strided.gather @!p1 [hbm4b:s17+s19], $0x2000, s20, s19, $0x38;
	[tilespmem:$0x10100] =	vst v63  }
0x20: {  	p1 =	sge.u32 s31, s6  }
.Ltmp2:
0x21: {  	_ = 	snop;
	(pc) =	sbr.rel @p1 .LBB1_7-.Ltmp2, $1  }
0x22: {  	_ =	sdelay $0x3  }
0x23: {  	s16 =	simm.s32 $0x1;
	s18 =	sand.u32 $0x1, s13  }
0x24: {  	_ =	swait.ge [sflag:s5], $0x4000;
	s16 =	simm.s32 @!p0 $0x0;
	s18 =	smul.u32 $0x10200, s18  }
0x25: {  	p2 =	por $0x1, $0x1;
	[sflag:s5] =	ssyncset.done $0x0;
	s17 =	smul.u32 $0x10200, s16  }
0x26: {  	s19 =	sshll.u32 s16, $0x10;
	[sflag:s5] =	ssyncadd.s32 $0xFFFFC000;
	s30 =	sshrl.u32 s18, $0x2  }
0x27: {  	s31 =	sshrl.u32 s19, $0x2;
	s19 =	simm.s32 $0x0;
	s17 =	sshrl.u32 s17, $0x2  }
0x28: {  	s16 =	sor.u32 $0x8000, s30;
	s18 =	sadd.s32 $0x20, s31;
	s17 =	sor.u32 $0x8000, s17  }
.LBB1_3:
0x29: {  	s20 =	sshll.u32 s19, $0xD  }
0x2a: {  	s20 =	sand.u32 $0x3FFFE000, s20  }
0x2b: {  	s22 =	sadd.s32 s20, s18  }
0x2c: {  	s31 =	smul.u32 $0x8100, s19;
	v3 =	vld [tilespmem:s22+$0x10]  }
0x2d: {  	v1 =	vld [tilespmem:s22+$0xFFFFFFF0]  }
0x2e: {  	s19 =	sshra.s32 s31, $0x2;
	v0 =	vld [tilespmem:s22+$0x0]  }
0x2f: {  	s19 =	sadd.s32 s19, s17;
	v2 =	vld [tilespmem:s22+$0xFFFFFFE0]  }
0x30: {  	s20 =	sadd.s32 $0x0, s19  }
0x31: {  	p1 =	por p2, p2;
	s21 =	simm.s32 $0x4;
	s22 =	sadd.s32 $0x40, s22;
	[tilespmem:s20+$0x1830 ss:$0x81] =	vst.msk $0xffff, v3  }
.LBB1_4:
0x32: {  	v3 =	vld [tilespmem:s22+$0x10];
	p2 =	sne.s32 s21, $0x1FC;
	[tilespmem:s20+$0x810 ss:$0x81] =	vst.msk $0xffff, v1;
	s23 =	smov.u32 s21;
	s21 =	sadd.s32 $0x4, s21  }
.Ltmp3:
0x33: {  	v1 =	vld [tilespmem:s22+$0xFFFFFFF0];
	[tilespmem:s20+$0x1020 ss:$0x81] =	vst.msk $0xffff, v0;
	(pc) =	sbr.rel @p2 .LBB1_4-.Ltmp3, $4  }
0x34: {  	v0 =	vld [tilespmem:s22+$0x0];
	[tilespmem:s20+$0x0 ss:$0x81] =	vst.msk $0xffff, v2  }
0x35: {  	s20 =	sshra.s32 s23, $0x2;
	v2 =	vld [tilespmem:s22+$0xFFFFFFE0]  }
0x36: {  	s20 =	sadd.s32 s20, s19  }
0x37: {  	s22 =	sadd.s32 $0x40, s22;
	[tilespmem:s20+$0x1830 ss:$0x81] =	vst.msk $0xffff, v3  }
.Ltmp4:
0x38: {  	(pc) =	sbr.rel @p1 .LBB1_3-.Ltmp4, $4  }
0x39: {  	_ = 	snop  }
0x3a: {  	[tilespmem:s20+$0x810 ss:$0x81] =	vst.msk $0xffff, v1  }
0x3b: {  	[tilespmem:s20+$0x1020 ss:$0x81] =	vst.msk $0xffff, v0  }
0x3c: {  	s19 =	simm.s32 $0x1;
	p2 =	por $0x0, $0x0;
	[tilespmem:s20+$0x0 ss:$0x81] =	vst.msk $0xffff, v2  }
.Ltmp5:
0x3d: {  	(pc) =	sbr.rel .LBB1_7-.Ltmp5, $4  }
0x3e: {  	_ = 	snop  }
0x3f: {  	s15 =	sshll.u32 s15, $0xD;
	s14 =	sadd.s32 s2, s14  }
0x40: {  	s14 =	sadd.s32 s15, s14  }
0x41: {  	[hbm4b:s14+s10] =	stream.strided.scatter [tilespmem:s16], [sflag:$0x2], $0x4000, s11, s10, $0x20;
	[tilespmem:$0x10100] =	vst v63  }
.LBB1_8:
0x42: {  	_ =	sfence.sel $0x180000  }
0x43: {  	s2 =	simm.s32 $0x1;
	[bflag:$0x0] =	sbarrier.arrive $0xFFFF  }
0x44: {  	s31 =	simm.s32 $0x2;
	[sflag:s2] =	ssyncpa.u1 $0x1  }
0x45: {  	[sflag:s31] =	ssyncpa.u1 $0x1  }
0x46: {  	p0 =	sne.s32 s0, $0x0;
	_ =	strace $0x9000004A  }
0x47: {  	s0 =	sadd.s32 @!p0 $0x100000, s1;
	[bflag:$0x2] =	sbarrier.arrive $0xFFFF  }
0x48: {  	[sflag:s0] =	ssyncadd.tile.s32 @!p0 $0x1;
	_ =	shalt  }
.Lfunc_end1:
_tile_overlayer_lowered:
.L_overlay_start_2:
0x49: {  	(tag) =	ssettag $0x2  }
0x4a: {  	s0 =	rddreg [dreg:$0x0];
	s2 =	stileid.u32  }
0x4b: {  	s1 =	rddreg [dreg:$0x1];
	p0 =	sne.s32 s2, $0x0  }
0x4c: {  	s3 =	rddreg [dreg:$0x2];
	[bflag:$0x3] =	sbarrier.arrive $0xFFFF;
	s2 =	simm.s32 @!p0 $0x1C01  }
0x4d: {  	[timem:s3], [sflag:s2] =	dma.local @!p0 [hbm:s0], s1  }
0x4e: {  	s0 =	simm.s32 @!p0 $0x1  }
0x4f: {  	_ =	swait.ge @!p0 [sflag:s0], s1  }
0x50: {  	s1 =	ssub.s32 @!p0 $0x0, s1;
	[sflag:s0] =	ssyncset.done @!p0 $0x0  }
0x51: {  	[sflag:s0] =	ssyncadd.s32 @!p0 s1  }
0x52: {  	[bflag:$0x3] =	sbarrier.arrive $0xFFFF  }
0x53: {  	_ =	shalt  }

</sc_bundles>
